<compile_context>
chip_gen: v7x
topology: tpu7x:2x2x1
jax: 0.10.2.dev20260603
libtpu: 0.0.44.dev20260713+nightly
codegen_flags: <defaults>
</compile_context>

<pallas_src>
import functools

import jax
import jax.numpy as jnp
from jax import lax
from jax.experimental import pallas as pl
from jax.experimental.pallas import tpu as pltpu
from jax.experimental.pallas import tpu_sc as plsc

_B, _S, _C = 16, 1024, 768
_K = 128


_SPG = 4


def _excl_cumsum_row(x):
    orig = x
    d = 1
    while d < _S:
        x = x + jnp.concatenate(
            [jnp.zeros((1, d), x.dtype), x[:, :-d]], axis=1)
        d *= 2
    return x - orig


def _select_body(logits_ref, sel_ref):
    brows, bcols = [], []
    for s in range(_SPG):
        lg = lax.transpose(logits_ref[s], (1, 0))
        m = jnp.max(lg, axis=-1, keepdims=True)
        e = jnp.exp(lg - m)
        ssum = jnp.sum(e, axis=-1, keepdims=True)
        vcol = 1.0 / ssum
        bcol = lax.bitcast_convert_type(vcol, jnp.int32)
        bcols.append(bcol)
        brows.append(lax.transpose(bcol, (1, 0)))
    keys = jnp.concatenate(brows, axis=0)

    def body(_, carry):
        lo, hi = carry
        mid = (lo + hi + 1) >> 1
        cnt = jnp.sum((keys >= mid).astype(jnp.int32), axis=1, keepdims=True)
        ge = cnt >= _K
        return jnp.where(ge, mid, lo), jnp.where(ge, hi, mid - 1)

    lo0 = jnp.zeros((_SPG, 1), jnp.int32)
    hi0 = jnp.full((_SPG, 1), 0x40000000, jnp.int32)
    t, _ = lax.fori_loop(0, 31, body, (lo0, hi0))

    iiK = lax.broadcasted_iota(jnp.int32, (_K, _K), 0)
    jjK = lax.broadcasted_iota(jnp.int32, (_K, _K), 1)
    rrS = lax.broadcasted_iota(jnp.int32, (_S, _K), 1)
    i2S = lax.broadcasted_iota(jnp.int32, (_S, _K), 0)

    for s in range(_SPG):
        bcol, brow, ts = bcols[s], brows[s], t[s:s + 1]
        gt_row = (brow > ts).astype(jnp.int32)
        eq_row = (brow == ts).astype(jnp.int32)
        cntG = jnp.sum(gt_row, axis=1, keepdims=True)
        pos_row = _excl_cumsum_row(gt_row)
        c_row = _excl_cumsum_row(eq_row)
        rank_tie = cntG + c_row
        tie_row = eq_row * (rank_tie < _K).astype(jnp.int32)

        gt_col = lax.transpose(gt_row, (1, 0))
        pos_col = lax.transpose(pos_row, (1, 0))
        rank_tie_col = lax.transpose(rank_tie, (1, 0))
        tie_col = lax.transpose(tie_row, (1, 0))

        m1 = (jnp.broadcast_to(pos_col, (_S, _K)) == rrS) & (
            jnp.broadcast_to(gt_col, (_S, _K)) > 0)
        ck = jnp.sum(jnp.where(m1, jnp.broadcast_to(bcol, (_S, _K)), 0),
                     axis=0, keepdims=True)
        cidx = jnp.sum(jnp.where(m1, i2S, 0), axis=0, keepdims=True)

        ckc = lax.transpose(ck, (1, 0))
        u2 = jnp.broadcast_to(ckc, (_K, _K)) + (jjK >= iiK).astype(jnp.int32)
        win2 = jnp.broadcast_to(ck, (_K, _K)) >= u2
        crank = jnp.sum(win2.astype(jnp.int32), axis=1, keepdims=True)

        cidxc = lax.transpose(cidx, (1, 0))
        m2 = (jnp.broadcast_to(crank, (_K, _K)) == jjK) & (iiK < cntG)
        selA = jnp.sum(jnp.where(m2, jnp.broadcast_to(cidxc, (_K, _K)), 0),
                       axis=0, keepdims=True)
        m3 = (jnp.broadcast_to(rank_tie_col, (_S, _K)) == rrS) & (
            jnp.broadcast_to(tie_col, (_S, _K)) > 0)
        selB = jnp.sum(jnp.where(m3, i2S, 0), axis=0, keepdims=True)
        sel_ref[s] = jnp.broadcast_to(selA + selB, (8, _K))


def _select(logits):
    lt = jnp.transpose(logits, (0, 2, 1))
    nc = logits.shape[-1]
    return pl.pallas_call(
        _select_body,
        grid=(_B // _SPG,),
        in_specs=[pl.BlockSpec((_SPG, nc, _S), lambda g: (g, 0, 0))],
        out_specs=pl.BlockSpec((_SPG, 8, _K), lambda g: (g, 0, 0)),
        out_shape=jax.ShapeDtypeStruct((_B, 8, _K), jnp.int32),
    )(lt)


def _gather(x, sel):
    info = plsc.get_sparse_core_info()
    nw = info.num_cores * info.num_subcores
    wps = nw // _B
    bpw = _K // wps
    mesh = plsc.VectorSubcoreMesh(core_axis_name="c", subcore_axis_name="s")

    @functools.partial(
        pl.kernel, mesh=mesh,
        out_type=jax.ShapeDtypeStruct((_B, _K, _C), jnp.float32),
        compiler_params=pltpu.CompilerParams(use_tc_tiling_on_sc=True),
        scratch_types=[
            pltpu.VMEM((bpw,), jnp.int32),
            pltpu.VMEM((bpw, _C), jnp.float32),
            pltpu.SemaphoreType.DMA,
        ],
    )
    def k(x_hbm, sel_hbm, out_hbm, idx_v, rows_v, sem):
        wid = lax.axis_index("s") * info.num_cores + lax.axis_index("c")
        b = wid // wps
        base = (wid % wps) * bpw
        pltpu.sync_copy(sel_hbm.at[b, 0, pl.ds(base, bpw)], idx_v)
        pltpu.async_copy(x_hbm.at[b].at[idx_v], rows_v, sem).wait()
        pltpu.sync_copy(rows_v, out_hbm.at[b, pl.ds(base, bpw)])

    return k(x, sel)


def kernel(x, logits):
    sel = _select(logits)
    return _gather(x, sel)

# --- scband reference (transcript-rebuilt; emitter-appended) ---
"""Pipeline reference for scband-weakly-selector-84928683311758 (READ-ONLY COPY).

The authoritative reference and input builder live on the scoring server;
editing this copy changes nothing except your own understanding.
"""

import jax, jax.numpy as jnp
import numpy as np

B, S, C = 16, 1024, 768
NUM_CLASSES = 200
NUM_SELECT = 128


def setup_inputs(seed: int = 0) -> dict:
    key = jax.random.key(seed)
    k1, k2 = jax.random.split(key)
    x = jax.random.normal(k1, (B, S, C), dtype=jnp.float32)
    logits = jax.random.normal(k2, (B, S, NUM_CLASSES), dtype=jnp.float32)
    return {"x": x, "logits": logits}


def reference(x, logits):
    # Faithful translation of WeaklySelector.forward with fpn_size set
    # (logits supplied externally) for a single feature map 'layer1'.
    # x: [B, S, C] token features, logits: [B, S, num_classes].
    probs = jax.nn.softmax(logits, axis=-1)            # [B, S, num_classes]
    max_vals = jnp.max(probs, axis=-1)                 # per-token max class prob, [B, S]
    # torch.sort(max_ids, descending=True) -> ranks; emulate with argsort of negated values
    ranks = jnp.argsort(-max_vals, axis=1)             # [B, S], descending confidence order
    sel_idx = ranks[:, :NUM_SELECT]                    # top num_select token indices per sample
    # sf = x[bi][ranks[:num_select]] stacked over batch
    selections = jnp.take_along_axis(x, sel_idx[:, :, None], axis=1)  # [B, NUM_SELECT, C]
    # The torch module also builds preds_1/preds_0/weights, but the function's
    # return value is `selections` only.
    return selections

if __name__ == "__main__":
    import jax
    _d = setup_inputs()
    print(jax.jit(kernel)(*tuple(_d.values())))

</pallas_src>

<mosaic_0001>
#map = affine_map<(d0, d1) -> (0, 0, 0)>
module attributes {stable_mosaic.version = 14 : i64} {
  func.func @k(%arg0: i32, %arg1: i32, %arg2: memref<16x1024x768xf32, #tpu.memory_space<hbm>>, %arg3: memref<16x8x128xi32, #tpu.memory_space<hbm>>, %arg4: memref<16x128x768xf32, #tpu.memory_space<hbm>>, %arg5: memref<64xi32, #tpu.memory_space<vmem>>, %arg6: memref<64x768xf32, #tpu.memory_space<vmem>>, %arg7: memref<!tpu.dma_semaphore, #tpu.memory_space<semaphore_mem>>) attributes {dimension_semantics = [#tpu.dimension_semantics<core_parallel>, #tpu.dimension_semantics<subcore_parallel>], iteration_bounds = array<i64: 2, 16>, scalar_prefetch = 0 : i64, scratch_operands = 3 : i64, tpu.core_type = #tpu.core_type<sc_vector_subcore>, window_params = [{transform_indices = #map}, {transform_indices = #map}, {transform_indices = #map}]} {
    %mul3A = arith.constant 2 : i32
    %mul3A_0 = arith.muli %arg1, %mul3A : i32
    %add3A = arith.addi %mul3A_0, %arg0 : i32
    %jit3A = arith.constant 2 : i32
    %div3A = arith.divsi %add3A, %jit3A : i32
    %sign3A = arith.constant 0 : i32
    %sign3A_1 = arith.cmpi sgt, %add3A, %sign3A : i32
    %sign3A_2 = arith.extui %sign3A_1 : i1 to i32
    %sign3A_3 = arith.constant 0 : i32
    %sign3A_4 = arith.cmpi slt, %add3A, %sign3A_3 : i32
    %sign3A_5 = arith.extui %sign3A_4 : i1 to i32
    %sign3A_6 = arith.subi %sign3A_2, %sign3A_5 : i32
    %sign3A_7 = arith.constant 0 : i32
    %sign3A_8 = arith.cmpi sgt, %jit3A, %sign3A_7 : i32
    %sign3A_9 = arith.extui %sign3A_8 : i1 to i32
    %sign3A_10 = arith.constant 0 : i32
    %sign3A_11 = arith.cmpi slt, %jit3A, %sign3A_10 : i32
    %sign3A_12 = arith.extui %sign3A_11 : i1 to i32
    %sign3A_13 = arith.subi %sign3A_9, %sign3A_12 : i32
    %ne3A = arith.cmpi ne, %sign3A_6, %sign3A_13 : i32
    %rem3A = arith.remsi %add3A, %jit3A : i32
    %ne3A_14 = arith.constant 0 : i32
    %ne3A_15 = arith.cmpi ne, %rem3A, %ne3A_14 : i32
    %and3A = arith.andi %ne3A, %ne3A_15 : i1
    %sub3A = arith.constant 1 : i32
    %sub3A_16 = arith.subi %div3A, %sub3A : i32
    %select_n3A = arith.select %and3A, %sub3A_16, %div3A : i32
    %jit3A_17 = arith.constant 2 : i32
    %eq3A = arith.constant 0 : i32
    %eq3A_18 = arith.cmpi eq, %jit3A_17, %eq3A : i32
    %jit3A_19 = arith.constant 1 : i32
    %select_n3A_20 = arith.select %eq3A_18, %jit3A_19, %jit3A_17 : i32
    %rem3A_21 = arith.remsi %add3A, %select_n3A_20 : i32
    %ne3A_22 = arith.constant 0 : i32
    %ne3A_23 = arith.cmpi ne, %rem3A_21, %ne3A_22 : i32
    %lt3A = arith.constant 0 : i32
    %lt3A_24 = arith.cmpi slt, %rem3A_21, %lt3A : i32
    %lt3A_25 = arith.constant 0 : i32
    %lt3A_26 = arith.cmpi slt, %select_n3A_20, %lt3A_25 : i32
    %ne3A_27 = arith.xori %lt3A_24, %lt3A_26 : i1
    %and3A_28 = arith.andi %ne3A_27, %ne3A_23 : i1
    %add3A_29 = arith.addi %rem3A_21, %select_n3A_20 : i32
    %select_n3A_30 = arith.select %and3A_28, %add3A_29, %rem3A_21 : i32
    %mul3A_31 = arith.constant 64 : i32
    %mul3A_32 = arith.muli %select_n3A_30, %mul3A_31 : i32
    %run_scoped3A = arith.constant 0 : i32
    "tpu.region"() ({
      %run_scoped3A_45 = tpu.sem_alloc : memref<!tpu.dma_semaphore, #tpu.memory_space<semaphore_mem>>
      %dma_start3A_46 = tpu.memref_slice %arg3[%select_n3A, %run_scoped3A, %mul3A_32] : memref<16x8x128xi32, #tpu.memory_space<hbm>> -> memref<1x1x64xi32, #tpu.memory_space<hbm>>
      %dma_start3A_47 = tpu.memref_squeeze %dma_start3A_46 : memref<1x1x64xi32, #tpu.memory_space<hbm>> -> memref<64xi32, #tpu.memory_space<hbm>>
      %dma_start3A_48 = tpu.memref_slice %arg3[%select_n3A, %run_scoped3A, %mul3A_32] : memref<16x8x128xi32, #tpu.memory_space<hbm>> -> memref<1x1x64xi32, #tpu.memory_space<hbm>>
      %dma_start3A_49 = tpu.memref_squeeze %dma_start3A_48 : memref<1x1x64xi32, #tpu.memory_space<hbm>> -> memref<64xi32, #tpu.memory_space<hbm>>
      tpu.enqueue_dma source(%dma_start3A_49 : memref<64xi32, #tpu.memory_space<hbm>>) target(%arg5 : memref<64xi32, #tpu.memory_space<vmem>>) target_semaphore(%run_scoped3A_45 : memref<!tpu.dma_semaphore, #tpu.memory_space<semaphore_mem>>)
      %dma_wait3A_50 = tpu.memref_slice %arg3[%select_n3A, %run_scoped3A, %mul3A_32] : memref<16x8x128xi32, #tpu.memory_space<hbm>> -> memref<1x1x64xi32, #tpu.memory_space<hbm>>
      %dma_wait3A_51 = tpu.memref_squeeze %dma_wait3A_50 : memref<1x1x64xi32, #tpu.memory_space<hbm>> -> memref<64xi32, #tpu.memory_space<hbm>>
      %dma_wait3A_52 = tpu.memref_slice %arg3[%select_n3A, %run_scoped3A, %mul3A_32] : memref<16x8x128xi32, #tpu.memory_space<hbm>> -> memref<1x1x64xi32, #tpu.memory_space<hbm>>
      %dma_wait3A_53 = tpu.memref_squeeze %dma_wait3A_52 : memref<1x1x64xi32, #tpu.memory_space<hbm>> -> memref<64xi32, #tpu.memory_space<hbm>>
      tpu.wait_dma2 semaphore(%run_scoped3A_45 : memref<!tpu.dma_semaphore, #tpu.memory_space<semaphore_mem>>) src(%dma_wait3A_53 : memref<64xi32, #tpu.memory_space<hbm>>) dst(%arg5 : memref<64xi32, #tpu.memory_space<vmem>>)
      tpu.yield
    }) : () -> ()
    %dma_start3A = arith.constant 0 : i32
    %dma_start3A_33 = arith.constant 0 : i32
    %dma_start3A_34 = tpu.memref_slice %arg2[%select_n3A, %dma_start3A, %dma_start3A_33] : memref<16x1024x768xf32, #tpu.memory_space<hbm>> -> memref<1x1024x768xf32, #tpu.memory_space<hbm>>
    %dma_start3A_35 = tpu.memref_squeeze %dma_start3A_34 : memref<1x1024x768xf32, #tpu.memory_space<hbm>> -> memref<1024x768xf32, #tpu.memory_space<hbm>>
    %dma_start3A_36 = arith.constant 0 : i32
    %dma_start3A_37 = arith.constant 0 : i32
    %dma_start3A_38 = tpu.memref_slice %dma_start3A_35[%dma_start3A_36, %dma_start3A_37] : memref<1024x768xf32, #tpu.memory_space<hbm>> -> memref<1024x768xf32, #tpu.memory_space<hbm>>
    tpu.enqueue_indirect_dma source(%dma_start3A_38 : memref<1024x768xf32, #tpu.memory_space<hbm>>) target(%arg6 : memref<64x768xf32, #tpu.memory_space<vmem>>) offsets(%arg5 : memref<64xi32, #tpu.memory_space<vmem>>) semaphore(%arg7 : memref<!tpu.dma_semaphore, #tpu.memory_space<semaphore_mem>>)
    %dma_wait3A = arith.constant 0 : i32
    %dma_wait3A_39 = arith.constant 0 : i32
    %dma_wait3A_40 = tpu.memref_slice %arg2[%select_n3A, %dma_wait3A, %dma_wait3A_39] : memref<16x1024x768xf32, #tpu.memory_space<hbm>> -> memref<1x1024x768xf32, #tpu.memory_space<hbm>>
    %dma_wait3A_41 = tpu.memref_squeeze %dma_wait3A_40 : memref<1x1024x768xf32, #tpu.memory_space<hbm>> -> memref<1024x768xf32, #tpu.memory_space<hbm>>
    %dma_wait3A_42 = arith.constant 0 : i32
    %dma_wait3A_43 = arith.constant 0 : i32
    %dma_wait3A_44 = tpu.memref_slice %dma_wait3A_41[%dma_wait3A_42, %dma_wait3A_43] : memref<1024x768xf32, #tpu.memory_space<hbm>> -> memref<1024x768xf32, #tpu.memory_space<hbm>>
    tpu.wait_indirect_dma semaphore(%arg7 : memref<!tpu.dma_semaphore, #tpu.memory_space<semaphore_mem>>) src(%dma_wait3A_44 : memref<1024x768xf32, #tpu.memory_space<hbm>>) dst(%arg6 : memref<64x768xf32, #tpu.memory_space<vmem>>)
    "tpu.region"() ({
      %run_scoped3A_45 = tpu.sem_alloc : memref<!tpu.dma_semaphore, #tpu.memory_space<semaphore_mem>>
      %dma_start3A_46 = arith.constant 0 : i32
      %dma_start3A_47 = tpu.memref_slice %arg4[%select_n3A, %mul3A_32, %dma_start3A_46] : memref<16x128x768xf32, #tpu.memory_space<hbm>> -> memref<1x64x768xf32, #tpu.memory_space<hbm>>
      %dma_start3A_48 = tpu.memref_squeeze %dma_start3A_47 : memref<1x64x768xf32, #tpu.memory_space<hbm>> -> memref<64x768xf32, #tpu.memory_space<hbm>>
      %dma_start3A_49 = arith.constant 0 : i32
      %dma_start3A_50 = tpu.memref_slice %arg4[%select_n3A, %mul3A_32, %dma_start3A_49] : memref<16x128x768xf32, #tpu.memory_space<hbm>> -> memref<1x64x768xf32, #tpu.memory_space<hbm>>
      %dma_start3A_51 = tpu.memref_squeeze %dma_start3A_50 : memref<1x64x768xf32, #tpu.memory_space<hbm>> -> memref<64x768xf32, #tpu.memory_space<hbm>>
      tpu.enqueue_dma source(%arg6 : memref<64x768xf32, #tpu.memory_space<vmem>>) target(%dma_start3A_51 : memref<64x768xf32, #tpu.memory_space<hbm>>) target_semaphore(%run_scoped3A_45 : memref<!tpu.dma_semaphore, #tpu.memory_space<semaphore_mem>>)
      %dma_wait3A_52 = arith.constant 0 : i32
      %dma_wait3A_53 = tpu.memref_slice %arg4[%select_n3A, %mul3A_32, %dma_wait3A_52] : memref<16x128x768xf32, #tpu.memory_space<hbm>> -> memref<1x64x768xf32, #tpu.memory_space<hbm>>
      %dma_wait3A_54 = tpu.memref_squeeze %dma_wait3A_53 : memref<1x64x768xf32, #tpu.memory_space<hbm>> -> memref<64x768xf32, #tpu.memory_space<hbm>>
      %dma_wait3A_55 = arith.constant 0 : i32
      %dma_wait3A_56 = tpu.memref_slice %arg4[%select_n3A, %mul3A_32, %dma_wait3A_55] : memref<16x128x768xf32, #tpu.memory_space<hbm>> -> memref<1x64x768xf32, #tpu.memory_space<hbm>>
      %dma_wait3A_57 = tpu.memref_squeeze %dma_wait3A_56 : memref<1x64x768xf32, #tpu.memory_space<hbm>> -> memref<64x768xf32, #tpu.memory_space<hbm>>
      tpu.wait_dma2 semaphore(%run_scoped3A_45 : memref<!tpu.dma_semaphore, #tpu.memory_space<semaphore_mem>>) src(%arg6 : memref<64x768xf32, #tpu.memory_space<vmem>>) dst(%dma_wait3A_57 : memref<64x768xf32, #tpu.memory_space<hbm>>)
      tpu.yield
    }) : () -> ()
    return
  }
}

module attributes {stable_mosaic.version = 14 : i64} {
  func.func @_select_body(%arg0: i32, %arg1: memref<4x200x1024xf32, #tpu.memory_space<vmem>>, %arg2: memref<4x8x128xi32, #tpu.memory_space<vmem>>) attributes {dimension_semantics = [#tpu.dimension_semantics<arbitrary>], iteration_bounds = array<i64: 4>, scalar_prefetch = 0 : i64, scratch_operands = 0 : i64, tpu.core_type = #tpu.core_type<tc>, window_params = [{transform_indices = @transform_0, window_bounds = array<i64: 4, 200, 1024>}, {transform_indices = @transform_1, window_bounds = array<i64: 4, 8, 128>}]} {
    %get3A = arith.constant 0 : index
    %get3A_0 = arith.constant 0 : index
    %get3A_1 = arith.constant 0 : index
    %get3A_2 = vector.load %arg1[%get3A, %get3A_0, %get3A_1] : memref<4x200x1024xf32, #tpu.memory_space<vmem>>, vector<1x200x1024xf32>
    %get3A_3 = vector.shape_cast %get3A_2 : vector<1x200x1024xf32> to vector<200x1024xf32>
    %transpose3A = tpu.transpose %get3A_3, [1, 0] : vector<200x1024xf32> -> vector<1024x200xf32>
    %reduce_max3A = arith.constant dense<0xFF800000> : vector<1024xf32>
    %reduce_max3A_4 = vector.multi_reduction <maximumf>, %transpose3A, %reduce_max3A [1] : vector<1024x200xf32> to vector<1024xf32>
    %broadcast_in_dim3A = vector.shape_cast %reduce_max3A_4 : vector<1024xf32> to vector<1024x1xf32>
    %sub3A = vector.broadcast %broadcast_in_dim3A : vector<1024x1xf32> to vector<1024x200xf32>
    %sub3A_5 = arith.subf %transpose3A, %sub3A : vector<1024x200xf32>
    %exp3A = math.exp %sub3A_5 : vector<1024x200xf32>
    %reduce_sum3A = arith.constant dense<0.000000e+00> : vector<1024xf32>
    %reduce_sum3A_6 = vector.multi_reduction <add>, %exp3A, %reduce_sum3A [1] : vector<1024x200xf32> to vector<1024xf32>
    %broadcast_in_dim3A_7 = vector.shape_cast %reduce_sum3A_6 : vector<1024xf32> to vector<1024x1xf32>
    %div3A = arith.constant 1.000000e+00 : f32
    %div3A_8 = vector.broadcast %div3A : f32 to vector<1024x1xf32>
    %div3A_9 = arith.divf %div3A_8, %broadcast_in_dim3A_7 : vector<1024x1xf32>
    %bitcast_convert_type3A = tpu.bitcast %div3A_9 : vector<1024x1xf32> -> vector<1024x1xi32>
    %transpose3A_10 = tpu.transpose %bitcast_convert_type3A, [1, 0] : vector<1024x1xi32> -> vector<1x1024xi32>
    %get3A_11 = arith.constant 1 : index
    %get3A_12 = arith.constant 0 : index
    %get3A_13 = arith.constant 0 : index
    %get3A_14 = vector.load %arg1[%get3A_11, %get3A_12, %get3A_13] : memref<4x200x1024xf32, #tpu.memory_space<vmem>>, vector<1x200x1024xf32>
    %get3A_15 = vector.shape_cast %get3A_14 : vector<1x200x1024xf32> to vector<200x1024xf32>
    %transpose3A_16 = tpu.transpose %get3A_15, [1, 0] : vector<200x1024xf32> -> vector<1024x200xf32>
    %reduce_max3A_17 = arith.constant dense<0xFF800000> : vector<1024xf32>
    %reduce_max3A_18 = vector.multi_reduction <maximumf>, %transpose3A_16, %reduce_max3A_17 [1] : vector<1024x200xf32> to vector<1024xf32>
    %broadcast_in_dim3A_19 = vector.shape_cast %reduce_max3A_18 : vector<1024xf32> to vector<1024x1xf32>
    %sub3A_20 = vector.broadcast %broadcast_in_dim3A_19 : vector<1024x1xf32> to vector<1024x200xf32>
    %sub3A_21 = arith.subf %transpose3A_16, %sub3A_20 : vector<1024x200xf32>
    %exp3A_22 = math.exp %sub3A_21 : vector<1024x200xf32>
    %reduce_sum3A_23 = arith.constant dense<0.000000e+00> : vector<1024xf32>
    %reduce_sum3A_24 = vector.multi_reduction <add>, %exp3A_22, %reduce_sum3A_23 [1] : vector<1024x200xf32> to vector<1024xf32>
    %broadcast_in_dim3A_25 = vector.shape_cast %reduce_sum3A_24 : vector<1024xf32> to vector<1024x1xf32>
    %div3A_26 = arith.constant 1.000000e+00 : f32
    %div3A_27 = vector.broadcast %div3A_26 : f32 to vector<1024x1xf32>
    %div3A_28 = arith.divf %div3A_27, %broadcast_in_dim3A_25 : vector<1024x1xf32>
    %bitcast_convert_type3A_29 = tpu.bitcast %div3A_28 : vector<1024x1xf32> -> vector<1024x1xi32>
    %transpose3A_30 = tpu.transpose %bitcast_convert_type3A_29, [1, 0] : vector<1024x1xi32> -> vector<1x1024xi32>
    %get3A_31 = arith.constant 2 : index
    %get3A_32 = arith.constant 0 : index
    %get3A_33 = arith.constant 0 : index
    %get3A_34 = vector.load %arg1[%get3A_31, %get3A_32, %get3A_33] : memref<4x200x1024xf32, #tpu.memory_space<vmem>>, vector<1x200x1024xf32>
    %get3A_35 = vector.shape_cast %get3A_34 : vector<1x200x1024xf32> to vector<200x1024xf32>
    %transpose3A_36 = tpu.transpose %get3A_35, [1, 0] : vector<200x1024xf32> -> vector<1024x200xf32>
    %reduce_max3A_37 = arith.constant dense<0xFF800000> : vector<1024xf32>
    %reduce_max3A_38 = vector.multi_reduction <maximumf>, %transpose3A_36, %reduce_max3A_37 [1] : vector<1024x200xf32> to vector<1024xf32>
    %broadcast_in_dim3A_39 = vector.shape_cast %reduce_max3A_38 : vector<1024xf32> to vector<1024x1xf32>
    %sub3A_40 = vector.broadcast %broadcast_in_dim3A_39 : vector<1024x1xf32> to vector<1024x200xf32>
    %sub3A_41 = arith.subf %transpose3A_36, %sub3A_40 : vector<1024x200xf32>
    %exp3A_42 = math.exp %sub3A_41 : vector<1024x200xf32>
    %reduce_sum3A_43 = arith.constant dense<0.000000e+00> : vector<1024xf32>
    %reduce_sum3A_44 = vector.multi_reduction <add>, %exp3A_42, %reduce_sum3A_43 [1] : vector<1024x200xf32> to vector<1024xf32>
    %broadcast_in_dim3A_45 = vector.shape_cast %reduce_sum3A_44 : vector<1024xf32> to vector<1024x1xf32>
    %div3A_46 = arith.constant 1.000000e+00 : f32
    %div3A_47 = vector.broadcast %div3A_46 : f32 to vector<1024x1xf32>
    %div3A_48 = arith.divf %div3A_47, %broadcast_in_dim3A_45 : vector<1024x1xf32>
    %bitcast_convert_type3A_49 = tpu.bitcast %div3A_48 : vector<1024x1xf32> -> vector<1024x1xi32>
    %transpose3A_50 = tpu.transpose %bitcast_convert_type3A_49, [1, 0] : vector<1024x1xi32> -> vector<1x1024xi32>
    %get3A_51 = arith.constant 3 : index
    %get3A_52 = arith.constant 0 : index
    %get3A_53 = arith.constant 0 : index
    %get3A_54 = vector.load %arg1[%get3A_51, %get3A_52, %get3A_53] : memref<4x200x1024xf32, #tpu.memory_space<vmem>>, vector<1x200x1024xf32>
    %get3A_55 = vector.shape_cast %get3A_54 : vector<1x200x1024xf32> to vector<200x1024xf32>
    %transpose3A_56 = tpu.transpose %get3A_55, [1, 0] : vector<200x1024xf32> -> vector<1024x200xf32>
    %reduce_max3A_57 = arith.constant dense<0xFF800000> : vector<1024xf32>
    %reduce_max3A_58 = vector.multi_reduction <maximumf>, %transpose3A_56, %reduce_max3A_57 [1] : vector<1024x200xf32> to vector<1024xf32>
    %broadcast_in_dim3A_59 = vector.shape_cast %reduce_max3A_58 : vector<1024xf32> to vector<1024x1xf32>
    %sub3A_60 = vector.broadcast %broadcast_in_dim3A_59 : vector<1024x1xf32> to vector<1024x200xf32>
    %sub3A_61 = arith.subf %transpose3A_56, %sub3A_60 : vector<1024x200xf32>
    %exp3A_62 = math.exp %sub3A_61 : vector<1024x200xf32>
    %reduce_sum3A_63 = arith.constant dense<0.000000e+00> : vector<1024xf32>
    %reduce_sum3A_64 = vector.multi_reduction <add>, %exp3A_62, %reduce_sum3A_63 [1] : vector<1024x200xf32> to vector<1024xf32>
    %broadcast_in_dim3A_65 = vector.shape_cast %reduce_sum3A_64 : vector<1024xf32> to vector<1024x1xf32>
    %div3A_66 = arith.constant 1.000000e+00 : f32
    %div3A_67 = vector.broadcast %div3A_66 : f32 to vector<1024x1xf32>
    %div3A_68 = arith.divf %div3A_67, %broadcast_in_dim3A_65 : vector<1024x1xf32>
    %bitcast_convert_type3A_69 = tpu.bitcast %div3A_68 : vector<1024x1xf32> -> vector<1024x1xi32>
    %transpose3A_70 = tpu.transpose %bitcast_convert_type3A_69, [1, 0] : vector<1024x1xi32> -> vector<1x1024xi32>
    %concatenate3A = tpu.concatenate %transpose3A_10, %transpose3A_30, %transpose3A_50, %transpose3A_70 in 0 : vector<1x1024xi32>, vector<1x1024xi32>, vector<1x1024xi32>, vector<1x1024xi32> -> vector<4x1024xi32>
    %broadcast_in_dim3A_71 = arith.constant 0 : i32
    %broadcast_in_dim3A_72 = vector.broadcast %broadcast_in_dim3A_71 : i32 to vector<4x1xi32>
    %broadcast_in_dim3A_73 = arith.constant 1073741824 : i32
    %broadcast_in_dim3A_74 = vector.broadcast %broadcast_in_dim3A_73 : i32 to vector<4x1xi32>
    %scan3A = arith.constant 0 : i32
    %scan3A_75 = arith.constant 31 : i32
    %scan3A_76 = arith.addi %scan3A, %scan3A_75 : i32
    %scan3A_77 = arith.constant 1 : i32
    %scan3A_78:2 = scf.for %scan3A_862 = %scan3A to %scan3A_76 step %scan3A_77 iter_args(%scan3A_863 = %broadcast_in_dim3A_72, %scan3A_864 = %broadcast_in_dim3A_74) -> (vector<4x1xi32>, vector<4x1xi32>)  : i32 {
      %add3A_865 = arith.addi %scan3A_863, %scan3A_864 : vector<4x1xi32>
      %add3A_866 = arith.constant 1 : i32
      %add3A_867 = vector.broadcast %add3A_866 : i32 to vector<4x1xi32>
      %add3A_868 = arith.addi %add3A_865, %add3A_867 : vector<4x1xi32>
      %shift_right_arithmetic3A = arith.constant 1 : i32
      %shift_right_arithmetic3A_869 = vector.broadcast %shift_right_arithmetic3A : i32 to vector<4x1xi32>
      %shift_right_arithmetic3A_870 = arith.shrsi %add3A_868, %shift_right_arithmetic3A_869 : vector<4x1xi32>
      %ge3A_871 = vector.broadcast %shift_right_arithmetic3A_870 : vector<4x1xi32> to vector<4x1024xi32>
      %ge3A_872 = arith.cmpi sge, %concatenate3A, %ge3A_871 : vector<4x1024xi32>
      %convert_element_type3A_873 = arith.extui %ge3A_872 : vector<4x1024xi1> to vector<4x1024xi32>
      %reduce_sum3A_874 = arith.constant dense<0> : vector<4xi32>
      %reduce_sum3A_875 = vector.multi_reduction <add>, %convert_element_type3A_873, %reduce_sum3A_874 [1] : vector<4x1024xi32> to vector<4xi32>
      %broadcast_in_dim3A_876 = vector.shape_cast %reduce_sum3A_875 : vector<4xi32> to vector<4x1xi32>
      %ge3A_877 = arith.constant 128 : i32
      %ge3A_878 = vector.broadcast %ge3A_877 : i32 to vector<4x1xi32>
      %ge3A_879 = arith.cmpi sge, %broadcast_in_dim3A_876, %ge3A_878 : vector<4x1xi32>
      %select_n3A_880 = arith.select %ge3A_879, %shift_right_arithmetic3A_870, %scan3A_863 : vector<4x1xi1>, vector<4x1xi32>
      %sub3A_881 = arith.constant 1 : i32
      %sub3A_882 = vector.broadcast %sub3A_881 : i32 to vector<4x1xi32>
      %sub3A_883 = arith.subi %shift_right_arithmetic3A_870, %sub3A_882 : vector<4x1xi32>
      %select_n3A_884 = arith.select %ge3A_879, %scan3A_864, %sub3A_883 : vector<4x1xi1>, vector<4x1xi32>
      scf.yield %select_n3A_880, %select_n3A_884 : vector<4x1xi32>, vector<4x1xi32>
    }
    %iota3A = tpu.iota {dimensions = array<i32: 0>} : vector<128x128xi32>
    %iota3A_79 = tpu.iota {dimensions = array<i32: 1>} : vector<128x128xi32>
    %iota3A_80 = tpu.iota {dimensions = array<i32: 1>} : vector<1024x128xi32>
    %iota3A_81 = tpu.iota {dimensions = array<i32: 0>} : vector<1024x128xi32>
    %slice3A = vector.extract_strided_slice %scan3A_78#0 {offsets = [0, 0], sizes = [1, 1], strides = [1, 1]} : vector<4x1xi32> to vector<1x1xi32>
    %gt3A = vector.broadcast %slice3A : vector<1x1xi32> to vector<1x1024xi32>
    %gt3A_82 = arith.cmpi sgt, %transpose3A_10, %gt3A : vector<1x1024xi32>
    %convert_element_type3A = arith.extui %gt3A_82 : vector<1x1024xi1> to vector<1x1024xi32>
    %eq3A = vector.broadcast %slice3A : vector<1x1xi32> to vector<1x1024xi32>
    %eq3A_83 = arith.cmpi eq, %transpose3A_10, %eq3A : vector<1x1024xi32>
    %convert_element_type3A_84 = arith.extui %eq3A_83 : vector<1x1024xi1> to vector<1x1024xi32>
    %reduce_sum3A_85 = arith.constant dense<0> : vector<1xi32>
    %reduce_sum3A_86 = vector.multi_reduction <add>, %convert_element_type3A, %reduce_sum3A_85 [1] : vector<1x1024xi32> to vector<1xi32>
    %broadcast_in_dim3A_87 = vector.shape_cast %reduce_sum3A_86 : vector<1xi32> to vector<1x1xi32>
    %broadcast_in_dim3A_88 = arith.constant 0 : i32
    %broadcast_in_dim3A_89 = vector.broadcast %broadcast_in_dim3A_88 : i32 to vector<1x1xi32>
    %slice3A_90 = vector.extract_strided_slice %convert_element_type3A {offsets = [0, 0], sizes = [1, 1023], strides = [1, 1]} : vector<1x1024xi32> to vector<1x1023xi32>
    %concatenate3A_91 = tpu.concatenate %broadcast_in_dim3A_89, %slice3A_90 in 1 : vector<1x1xi32>, vector<1x1023xi32> -> vector<1x1024xi32>
    %add3A = arith.addi %convert_element_type3A, %concatenate3A_91 : vector<1x1024xi32>
    %broadcast_in_dim3A_92 = arith.constant 0 : i32
    %broadcast_in_dim3A_93 = vector.broadcast %broadcast_in_dim3A_92 : i32 to vector<1x2xi32>
    %slice3A_94 = vector.extract_strided_slice %add3A {offsets = [0, 0], sizes = [1, 1022], strides = [1, 1]} : vector<1x1024xi32> to vector<1x1022xi32>
    %concatenate3A_95 = tpu.concatenate %broadcast_in_dim3A_93, %slice3A_94 in 1 : vector<1x2xi32>, vector<1x1022xi32> -> vector<1x1024xi32>
    %add3A_96 = arith.addi %add3A, %concatenate3A_95 : vector<1x1024xi32>
    %broadcast_in_dim3A_97 = arith.constant 0 : i32
    %broadcast_in_dim3A_98 = vector.broadcast %broadcast_in_dim3A_97 : i32 to vector<1x4xi32>
    %slice3A_99 = vector.extract_strided_slice %add3A_96 {offsets = [0, 0], sizes = [1, 1020], strides = [1, 1]} : vector<1x1024xi32> to vector<1x1020xi32>
    %concatenate3A_100 = tpu.concatenate %broadcast_in_dim3A_98, %slice3A_99 in 1 : vector<1x4xi32>, vector<1x1020xi32> -> vector<1x1024xi32>
    %add3A_101 = arith.addi %add3A_96, %concatenate3A_100 : vector<1x1024xi32>
    %broadcast_in_dim3A_102 = arith.constant 0 : i32
    %broadcast_in_dim3A_103 = vector.broadcast %broadcast_in_dim3A_102 : i32 to vector<1x8xi32>
    %slice3A_104 = vector.extract_strided_slice %add3A_101 {offsets = [0, 0], sizes = [1, 1016], strides = [1, 1]} : vector<1x1024xi32> to vector<1x1016xi32>
    %concatenate3A_105 = tpu.concatenate %broadcast_in_dim3A_103, %slice3A_104 in 1 : vector<1x8xi32>, vector<1x1016xi32> -> vector<1x1024xi32>
    %add3A_106 = arith.addi %add3A_101, %concatenate3A_105 : vector<1x1024xi32>
    %broadcast_in_dim3A_107 = arith.constant 0 : i32
    %broadcast_in_dim3A_108 = vector.broadcast %broadcast_in_dim3A_107 : i32 to vector<1x16xi32>
    %slice3A_109 = vector.extract_strided_slice %add3A_106 {offsets = [0, 0], sizes = [1, 1008], strides = [1, 1]} : vector<1x1024xi32> to vector<1x1008xi32>
    %concatenate3A_110 = tpu.concatenate %broadcast_in_dim3A_108, %slice3A_109 in 1 : vector<1x16xi32>, vector<1x1008xi32> -> vector<1x1024xi32>
    %add3A_111 = arith.addi %add3A_106, %concatenate3A_110 : vector<1x1024xi32>
    %broadcast_in_dim3A_112 = arith.constant 0 : i32
    %broadcast_in_dim3A_113 = vector.broadcast %broadcast_in_dim3A_112 : i32 to vector<1x32xi32>
    %slice3A_114 = vector.extract_strided_slice %add3A_111 {offsets = [0, 0], sizes = [1, 992], strides = [1, 1]} : vector<1x1024xi32> to vector<1x992xi32>
    %concatenate3A_115 = tpu.concatenate %broadcast_in_dim3A_113, %slice3A_114 in 1 : vector<1x32xi32>, vector<1x992xi32> -> vector<1x1024xi32>
    %add3A_116 = arith.addi %add3A_111, %concatenate3A_115 : vector<1x1024xi32>
    %broadcast_in_dim3A_117 = arith.constant 0 : i32
    %broadcast_in_dim3A_118 = vector.broadcast %broadcast_in_dim3A_117 : i32 to vector<1x64xi32>
    %slice3A_119 = vector.extract_strided_slice %add3A_116 {offsets = [0, 0], sizes = [1, 960], strides = [1, 1]} : vector<1x1024xi32> to vector<1x960xi32>
    %concatenate3A_120 = tpu.concatenate %broadcast_in_dim3A_118, %slice3A_119 in 1 : vector<1x64xi32>, vector<1x960xi32> -> vector<1x1024xi32>
    %add3A_121 = arith.addi %add3A_116, %concatenate3A_120 : vector<1x1024xi32>
    %broadcast_in_dim3A_122 = arith.constant 0 : i32
    %broadcast_in_dim3A_123 = vector.broadcast %broadcast_in_dim3A_122 : i32 to vector<1x128xi32>
    %slice3A_124 = vector.extract_strided_slice %add3A_121 {offsets = [0, 0], sizes = [1, 896], strides = [1, 1]} : vector<1x1024xi32> to vector<1x896xi32>
    %concatenate3A_125 = tpu.concatenate %broadcast_in_dim3A_123, %slice3A_124 in 1 : vector<1x128xi32>, vector<1x896xi32> -> vector<1x1024xi32>
    %add3A_126 = arith.addi %add3A_121, %concatenate3A_125 : vector<1x1024xi32>
    %broadcast_in_dim3A_127 = arith.constant 0 : i32
    %broadcast_in_dim3A_128 = vector.broadcast %broadcast_in_dim3A_127 : i32 to vector<1x256xi32>
    %slice3A_129 = vector.extract_strided_slice %add3A_126 {offsets = [0, 0], sizes = [1, 768], strides = [1, 1]} : vector<1x1024xi32> to vector<1x768xi32>
    %concatenate3A_130 = tpu.concatenate %broadcast_in_dim3A_128, %slice3A_129 in 1 : vector<1x256xi32>, vector<1x768xi32> -> vector<1x1024xi32>
    %add3A_131 = arith.addi %add3A_126, %concatenate3A_130 : vector<1x1024xi32>
    %broadcast_in_dim3A_132 = arith.constant 0 : i32
    %broadcast_in_dim3A_133 = vector.broadcast %broadcast_in_dim3A_132 : i32 to vector<1x512xi32>
    %slice3A_134 = vector.extract_strided_slice %add3A_131 {offsets = [0, 0], sizes = [1, 512], strides = [1, 1]} : vector<1x1024xi32> to vector<1x512xi32>
    %concatenate3A_135 = tpu.concatenate %broadcast_in_dim3A_133, %slice3A_134 in 1 : vector<1x512xi32>, vector<1x512xi32> -> vector<1x1024xi32>
    %add3A_136 = arith.addi %add3A_131, %concatenate3A_135 : vector<1x1024xi32>
    %sub3A_137 = arith.subi %add3A_136, %convert_element_type3A : vector<1x1024xi32>
    %broadcast_in_dim3A_138 = arith.constant 0 : i32
    %broadcast_in_dim3A_139 = vector.broadcast %broadcast_in_dim3A_138 : i32 to vector<1x1xi32>
    %slice3A_140 = vector.extract_strided_slice %convert_element_type3A_84 {offsets = [0, 0], sizes = [1, 1023], strides = [1, 1]} : vector<1x1024xi32> to vector<1x1023xi32>
    %concatenate3A_141 = tpu.concatenate %broadcast_in_dim3A_139, %slice3A_140 in 1 : vector<1x1xi32>, vector<1x1023xi32> -> vector<1x1024xi32>
    %add3A_142 = arith.addi %convert_element_type3A_84, %concatenate3A_141 : vector<1x1024xi32>
    %broadcast_in_dim3A_143 = arith.constant 0 : i32
    %broadcast_in_dim3A_144 = vector.broadcast %broadcast_in_dim3A_143 : i32 to vector<1x2xi32>
    %slice3A_145 = vector.extract_strided_slice %add3A_142 {offsets = [0, 0], sizes = [1, 1022], strides = [1, 1]} : vector<1x1024xi32> to vector<1x1022xi32>
    %concatenate3A_146 = tpu.concatenate %broadcast_in_dim3A_144, %slice3A_145 in 1 : vector<1x2xi32>, vector<1x1022xi32> -> vector<1x1024xi32>
    %add3A_147 = arith.addi %add3A_142, %concatenate3A_146 : vector<1x1024xi32>
    %broadcast_in_dim3A_148 = arith.constant 0 : i32
    %broadcast_in_dim3A_149 = vector.broadcast %broadcast_in_dim3A_148 : i32 to vector<1x4xi32>
    %slice3A_150 = vector.extract_strided_slice %add3A_147 {offsets = [0, 0], sizes = [1, 1020], strides = [1, 1]} : vector<1x1024xi32> to vector<1x1020xi32>
    %concatenate3A_151 = tpu.concatenate %broadcast_in_dim3A_149, %slice3A_150 in 1 : vector<1x4xi32>, vector<1x1020xi32> -> vector<1x1024xi32>
    %add3A_152 = arith.addi %add3A_147, %concatenate3A_151 : vector<1x1024xi32>
    %broadcast_in_dim3A_153 = arith.constant 0 : i32
    %broadcast_in_dim3A_154 = vector.broadcast %broadcast_in_dim3A_153 : i32 to vector<1x8xi32>
    %slice3A_155 = vector.extract_strided_slice %add3A_152 {offsets = [0, 0], sizes = [1, 1016], strides = [1, 1]} : vector<1x1024xi32> to vector<1x1016xi32>
    %concatenate3A_156 = tpu.concatenate %broadcast_in_dim3A_154, %slice3A_155 in 1 : vector<1x8xi32>, vector<1x1016xi32> -> vector<1x1024xi32>
    %add3A_157 = arith.addi %add3A_152, %concatenate3A_156 : vector<1x1024xi32>
    %broadcast_in_dim3A_158 = arith.constant 0 : i32
    %broadcast_in_dim3A_159 = vector.broadcast %broadcast_in_dim3A_158 : i32 to vector<1x16xi32>
    %slice3A_160 = vector.extract_strided_slice %add3A_157 {offsets = [0, 0], sizes = [1, 1008], strides = [1, 1]} : vector<1x1024xi32> to vector<1x1008xi32>
    %concatenate3A_161 = tpu.concatenate %broadcast_in_dim3A_159, %slice3A_160 in 1 : vector<1x16xi32>, vector<1x1008xi32> -> vector<1x1024xi32>
    %add3A_162 = arith.addi %add3A_157, %concatenate3A_161 : vector<1x1024xi32>
    %broadcast_in_dim3A_163 = arith.constant 0 : i32
    %broadcast_in_dim3A_164 = vector.broadcast %broadcast_in_dim3A_163 : i32 to vector<1x32xi32>
    %slice3A_165 = vector.extract_strided_slice %add3A_162 {offsets = [0, 0], sizes = [1, 992], strides = [1, 1]} : vector<1x1024xi32> to vector<1x992xi32>
    %concatenate3A_166 = tpu.concatenate %broadcast_in_dim3A_164, %slice3A_165 in 1 : vector<1x32xi32>, vector<1x992xi32> -> vector<1x1024xi32>
    %add3A_167 = arith.addi %add3A_162, %concatenate3A_166 : vector<1x1024xi32>
    %broadcast_in_dim3A_168 = arith.constant 0 : i32
    %broadcast_in_dim3A_169 = vector.broadcast %broadcast_in_dim3A_168 : i32 to vector<1x64xi32>
    %slice3A_170 = vector.extract_strided_slice %add3A_167 {offsets = [0, 0], sizes = [1, 960], strides = [1, 1]} : vector<1x1024xi32> to vector<1x960xi32>
    %concatenate3A_171 = tpu.concatenate %broadcast_in_dim3A_169, %slice3A_170 in 1 : vector<1x64xi32>, vector<1x960xi32> -> vector<1x1024xi32>
    %add3A_172 = arith.addi %add3A_167, %concatenate3A_171 : vector<1x1024xi32>
    %broadcast_in_dim3A_173 = arith.constant 0 : i32
    %broadcast_in_dim3A_174 = vector.broadcast %broadcast_in_dim3A_173 : i32 to vector<1x128xi32>
    %slice3A_175 = vector.extract_strided_slice %add3A_172 {offsets = [0, 0], sizes = [1, 896], strides = [1, 1]} : vector<1x1024xi32> to vector<1x896xi32>
    %concatenate3A_176 = tpu.concatenate %broadcast_in_dim3A_174, %slice3A_175 in 1 : vector<1x128xi32>, vector<1x896xi32> -> vector<1x1024xi32>
    %add3A_177 = arith.addi %add3A_172, %concatenate3A_176 : vector<1x1024xi32>
    %broadcast_in_dim3A_178 = arith.constant 0 : i32
    %broadcast_in_dim3A_179 = vector.broadcast %broadcast_in_dim3A_178 : i32 to vector<1x256xi32>
    %slice3A_180 = vector.extract_strided_slice %add3A_177 {offsets = [0, 0], sizes = [1, 768], strides = [1, 1]} : vector<1x1024xi32> to vector<1x768xi32>
    %concatenate3A_181 = tpu.concatenate %broadcast_in_dim3A_179, %slice3A_180 in 1 : vector<1x256xi32>, vector<1x768xi32> -> vector<1x1024xi32>
    %add3A_182 = arith.addi %add3A_177, %concatenate3A_181 : vector<1x1024xi32>
    %broadcast_in_dim3A_183 = arith.constant 0 : i32
    %broadcast_in_dim3A_184 = vector.broadcast %broadcast_in_dim3A_183 : i32 to vector<1x512xi32>
    %slice3A_185 = vector.extract_strided_slice %add3A_182 {offsets = [0, 0], sizes = [1, 512], strides = [1, 1]} : vector<1x1024xi32> to vector<1x512xi32>
    %concatenate3A_186 = tpu.concatenate %broadcast_in_dim3A_184, %slice3A_185 in 1 : vector<1x512xi32>, vector<1x512xi32> -> vector<1x1024xi32>
    %add3A_187 = arith.addi %add3A_182, %concatenate3A_186 : vector<1x1024xi32>
    %sub3A_188 = arith.subi %add3A_187, %convert_element_type3A_84 : vector<1x1024xi32>
    %add3A_189 = vector.broadcast %broadcast_in_dim3A_87 : vector<1x1xi32> to vector<1x1024xi32>
    %add3A_190 = arith.addi %add3A_189, %sub3A_188 : vector<1x1024xi32>
    %lt3A = arith.constant 128 : i32
    %lt3A_191 = vector.broadcast %lt3A : i32 to vector<1x1024xi32>
    %lt3A_192 = arith.cmpi slt, %add3A_190, %lt3A_191 : vector<1x1024xi32>
    %convert_element_type3A_193 = arith.extui %lt3A_192 : vector<1x1024xi1> to vector<1x1024xi32>
    %mul3A = arith.muli %convert_element_type3A_84, %convert_element_type3A_193 : vector<1x1024xi32>
    %transpose3A_194 = tpu.transpose %convert_element_type3A, [1, 0] : vector<1x1024xi32> -> vector<1024x1xi32>
    %transpose3A_195 = tpu.transpose %sub3A_137, [1, 0] : vector<1x1024xi32> -> vector<1024x1xi32>
    %transpose3A_196 = tpu.transpose %add3A_190, [1, 0] : vector<1x1024xi32> -> vector<1024x1xi32>
    %transpose3A_197 = tpu.transpose %mul3A, [1, 0] : vector<1x1024xi32> -> vector<1024x1xi32>
    %broadcast_in_dim3A_198 = vector.shape_cast %transpose3A_195 : vector<1024x1xi32> to vector<1024x1xi32>
    %broadcast_in_dim3A_199 = vector.broadcast %broadcast_in_dim3A_198 : vector<1024x1xi32> to vector<1024x128xi32>
    %eq3A_200 = arith.cmpi eq, %broadcast_in_dim3A_199, %iota3A_80 : vector<1024x128xi32>
    %broadcast_in_dim3A_201 = vector.shape_cast %transpose3A_194 : vector<1024x1xi32> to vector<1024x1xi32>
    %broadcast_in_dim3A_202 = vector.broadcast %broadcast_in_dim3A_201 : vector<1024x1xi32> to vector<1024x128xi32>
    %gt3A_203 = arith.constant 0 : i32
    %gt3A_204 = vector.broadcast %gt3A_203 : i32 to vector<1024x128xi32>
    %gt3A_205 = arith.cmpi sgt, %broadcast_in_dim3A_202, %gt3A_204 : vector<1024x128xi32>
    %and3A = arith.andi %eq3A_200, %gt3A_205 : vector<1024x128xi1>
    %broadcast_in_dim3A_206 = vector.shape_cast %bitcast_convert_type3A : vector<1024x1xi32> to vector<1024x1xi32>
    %broadcast_in_dim3A_207 = vector.broadcast %broadcast_in_dim3A_206 : vector<1024x1xi32> to vector<1024x128xi32>
    %jit3A = arith.constant 0 : i32
    %broadcast_in_dim3A_208 = vector.broadcast %jit3A : i32 to vector<1024x128xi32>
    %select_n3A = arith.select %and3A, %broadcast_in_dim3A_207, %broadcast_in_dim3A_208 : vector<1024x128xi1>, vector<1024x128xi32>
    %reduce_sum3A_209 = arith.constant dense<0> : vector<128xi32>
    %reduce_sum3A_210 = vector.multi_reduction <add>, %select_n3A, %reduce_sum3A_209 [0] : vector<1024x128xi32> to vector<128xi32>
    %broadcast_in_dim3A_211 = vector.shape_cast %reduce_sum3A_210 : vector<128xi32> to vector<1x128xi32>
    %jit3A_212 = arith.constant 0 : i32
    %broadcast_in_dim3A_213 = vector.broadcast %jit3A_212 : i32 to vector<1024x128xi32>
    %select_n3A_214 = arith.select %and3A, %iota3A_81, %broadcast_in_dim3A_213 : vector<1024x128xi1>, vector<1024x128xi32>
    %reduce_sum3A_215 = arith.constant dense<0> : vector<128xi32>
    %reduce_sum3A_216 = vector.multi_reduction <add>, %select_n3A_214, %reduce_sum3A_215 [0] : vector<1024x128xi32> to vector<128xi32>
    %broadcast_in_dim3A_217 = vector.shape_cast %reduce_sum3A_216 : vector<128xi32> to vector<1x128xi32>
    %transpose3A_218 = tpu.transpose %broadcast_in_dim3A_211, [1, 0] : vector<1x128xi32> -> vector<128x1xi32>
    %broadcast_in_dim3A_219 = vector.shape_cast %transpose3A_218 : vector<128x1xi32> to vector<128x1xi32>
    %broadcast_in_dim3A_220 = vector.broadcast %broadcast_in_dim3A_219 : vector<128x1xi32> to vector<128x128xi32>
    %ge3A = arith.cmpi sge, %iota3A_79, %iota3A : vector<128x128xi32>
    %convert_element_type3A_221 = arith.extui %ge3A : vector<128x128xi1> to vector<128x128xi32>
    %add3A_222 = arith.addi %broadcast_in_dim3A_220, %convert_element_type3A_221 : vector<128x128xi32>
    %broadcast_in_dim3A_223 = vector.shape_cast %broadcast_in_dim3A_211 : vector<1x128xi32> to vector<1x128xi32>
    %broadcast_in_dim3A_224 = vector.broadcast %broadcast_in_dim3A_223 : vector<1x128xi32> to vector<128x128xi32>
    %ge3A_225 = arith.cmpi sge, %broadcast_in_dim3A_224, %add3A_222 : vector<128x128xi32>
    %convert_element_type3A_226 = arith.extui %ge3A_225 : vector<128x128xi1> to vector<128x128xi32>
    %reduce_sum3A_227 = arith.constant dense<0> : vector<128xi32>
    %reduce_sum3A_228 = vector.multi_reduction <add>, %convert_element_type3A_226, %reduce_sum3A_227 [1] : vector<128x128xi32> to vector<128xi32>
    %broadcast_in_dim3A_229 = vector.shape_cast %reduce_sum3A_228 : vector<128xi32> to vector<128x1xi32>
    %transpose3A_230 = tpu.transpose %broadcast_in_dim3A_217, [1, 0] : vector<1x128xi32> -> vector<128x1xi32>
    %broadcast_in_dim3A_231 = vector.shape_cast %broadcast_in_dim3A_229 : vector<128x1xi32> to vector<128x1xi32>
    %broadcast_in_dim3A_232 = vector.broadcast %broadcast_in_dim3A_231 : vector<128x1xi32> to vector<128x128xi32>
    %eq3A_233 = arith.cmpi eq, %broadcast_in_dim3A_232, %iota3A_79 : vector<128x128xi32>
    %lt3A_234 = vector.broadcast %broadcast_in_dim3A_87 : vector<1x1xi32> to vector<128x128xi32>
    %lt3A_235 = arith.cmpi slt, %iota3A, %lt3A_234 : vector<128x128xi32>
    %and3A_236 = arith.andi %eq3A_233, %lt3A_235 : vector<128x128xi1>
    %broadcast_in_dim3A_237 = vector.shape_cast %transpose3A_230 : vector<128x1xi32> to vector<128x1xi32>
    %broadcast_in_dim3A_238 = vector.broadcast %broadcast_in_dim3A_237 : vector<128x1xi32> to vector<128x128xi32>
    %jit3A_239 = arith.constant 0 : i32
    %broadcast_in_dim3A_240 = vector.broadcast %jit3A_239 : i32 to vector<128x128xi32>
    %select_n3A_241 = arith.select %and3A_236, %broadcast_in_dim3A_238, %broadcast_in_dim3A_240 : vector<128x128xi1>, vector<128x128xi32>
    %reduce_sum3A_242 = arith.constant dense<0> : vector<128xi32>
    %reduce_sum3A_243 = vector.multi_reduction <add>, %select_n3A_241, %reduce_sum3A_242 [0] : vector<128x128xi32> to vector<128xi32>
    %broadcast_in_dim3A_244 = vector.shape_cast %reduce_sum3A_243 : vector<128xi32> to vector<1x128xi32>
    %broadcast_in_dim3A_245 = vector.shape_cast %transpose3A_196 : vector<1024x1xi32> to vector<1024x1xi32>
    %broadcast_in_dim3A_246 = vector.broadcast %broadcast_in_dim3A_245 : vector<1024x1xi32> to vector<1024x128xi32>
    %eq3A_247 = arith.cmpi eq, %broadcast_in_dim3A_246, %iota3A_80 : vector<1024x128xi32>
    %broadcast_in_dim3A_248 = vector.shape_cast %transpose3A_197 : vector<1024x1xi32> to vector<1024x1xi32>
    %broadcast_in_dim3A_249 = vector.broadcast %broadcast_in_dim3A_248 : vector<1024x1xi32> to vector<1024x128xi32>
    %gt3A_250 = arith.constant 0 : i32
    %gt3A_251 = vector.broadcast %gt3A_250 : i32 to vector<1024x128xi32>
    %gt3A_252 = arith.cmpi sgt, %broadcast_in_dim3A_249, %gt3A_251 : vector<1024x128xi32>
    %and3A_253 = arith.andi %eq3A_247, %gt3A_252 : vector<1024x128xi1>
    %jit3A_254 = arith.constant 0 : i32
    %broadcast_in_dim3A_255 = vector.broadcast %jit3A_254 : i32 to vector<1024x128xi32>
    %select_n3A_256 = arith.select %and3A_253, %iota3A_81, %broadcast_in_dim3A_255 : vector<1024x128xi1>, vector<1024x128xi32>
    %reduce_sum3A_257 = arith.constant dense<0> : vector<128xi32>
    %reduce_sum3A_258 = vector.multi_reduction <add>, %select_n3A_256, %reduce_sum3A_257 [0] : vector<1024x128xi32> to vector<128xi32>
    %broadcast_in_dim3A_259 = vector.shape_cast %reduce_sum3A_258 : vector<128xi32> to vector<1x128xi32>
    %add3A_260 = arith.addi %broadcast_in_dim3A_244, %broadcast_in_dim3A_259 : vector<1x128xi32>
    %broadcast_in_dim3A_261 = vector.shape_cast %add3A_260 : vector<1x128xi32> to vector<1x128xi32>
    %broadcast_in_dim3A_262 = vector.broadcast %broadcast_in_dim3A_261 : vector<1x128xi32> to vector<8x128xi32>
    %swap3A = arith.constant 0 : index
    %swap3A_263 = arith.constant 0 : index
    %swap3A_264 = arith.constant 0 : index
    %swap3A_265 = vector.load %arg2[%swap3A, %swap3A_263, %swap3A_264] : memref<4x8x128xi32, #tpu.memory_space<vmem>>, vector<1x8x128xi32>
    %swap3A_266 = vector.shape_cast %swap3A_265 : vector<1x8x128xi32> to vector<8x128xi32>
    %swap3A_267 = vector.shape_cast %broadcast_in_dim3A_262 : vector<8x128xi32> to vector<1x8x128xi32>
    tpu.vector_store %arg2[%swap3A, %swap3A_263, %swap3A_264], %swap3A_267 {strides = array<i32>} : memref<4x8x128xi32, #tpu.memory_space<vmem>>, vector<1x8x128xi32>,
    %slice3A_268 = vector.extract_strided_slice %scan3A_78#0 {offsets = [1, 0], sizes = [1, 1], strides = [1, 1]} : vector<4x1xi32> to vector<1x1xi32>
    %gt3A_269 = vector.broadcast %slice3A_268 : vector<1x1xi32> to vector<1x1024xi32>
    %gt3A_270 = arith.cmpi sgt, %transpose3A_30, %gt3A_269 : vector<1x1024xi32>
    %convert_element_type3A_271 = arith.extui %gt3A_270 : vector<1x1024xi1> to vector<1x1024xi32>
    %eq3A_272 = vector.broadcast %slice3A_268 : vector<1x1xi32> to vector<1x1024xi32>
    %eq3A_273 = arith.cmpi eq, %transpose3A_30, %eq3A_272 : vector<1x1024xi32>
    %convert_element_type3A_274 = arith.extui %eq3A_273 : vector<1x1024xi1> to vector<1x1024xi32>
    %reduce_sum3A_275 = arith.constant dense<0> : vector<1xi32>
    %reduce_sum3A_276 = vector.multi_reduction <add>, %convert_element_type3A_271, %reduce_sum3A_275 [1] : vector<1x1024xi32> to vector<1xi32>
    %broadcast_in_dim3A_277 = vector.shape_cast %reduce_sum3A_276 : vector<1xi32> to vector<1x1xi32>
    %broadcast_in_dim3A_278 = arith.constant 0 : i32
    %broadcast_in_dim3A_279 = vector.broadcast %broadcast_in_dim3A_278 : i32 to vector<1x1xi32>
    %slice3A_280 = vector.extract_strided_slice %convert_element_type3A_271 {offsets = [0, 0], sizes = [1, 1023], strides = [1, 1]} : vector<1x1024xi32> to vector<1x1023xi32>
    %concatenate3A_281 = tpu.concatenate %broadcast_in_dim3A_279, %slice3A_280 in 1 : vector<1x1xi32>, vector<1x1023xi32> -> vector<1x1024xi32>
    %add3A_282 = arith.addi %convert_element_type3A_271, %concatenate3A_281 : vector<1x1024xi32>
    %broadcast_in_dim3A_283 = arith.constant 0 : i32
    %broadcast_in_dim3A_284 = vector.broadcast %broadcast_in_dim3A_283 : i32 to vector<1x2xi32>
    %slice3A_285 = vector.extract_strided_slice %add3A_282 {offsets = [0, 0], sizes = [1, 1022], strides = [1, 1]} : vector<1x1024xi32> to vector<1x1022xi32>
    %concatenate3A_286 = tpu.concatenate %broadcast_in_dim3A_284, %slice3A_285 in 1 : vector<1x2xi32>, vector<1x1022xi32> -> vector<1x1024xi32>
    %add3A_287 = arith.addi %add3A_282, %concatenate3A_286 : vector<1x1024xi32>
    %broadcast_in_dim3A_288 = arith.constant 0 : i32
    %broadcast_in_dim3A_289 = vector.broadcast %broadcast_in_dim3A_288 : i32 to vector<1x4xi32>
    %slice3A_290 = vector.extract_strided_slice %add3A_287 {offsets = [0, 0], sizes = [1, 1020], strides = [1, 1]} : vector<1x1024xi32> to vector<1x1020xi32>
    %concatenate3A_291 = tpu.concatenate %broadcast_in_dim3A_289, %slice3A_290 in 1 : vector<1x4xi32>, vector<1x1020xi32> -> vector<1x1024xi32>
    %add3A_292 = arith.addi %add3A_287, %concatenate3A_291 : vector<1x1024xi32>
    %broadcast_in_dim3A_293 = arith.constant 0 : i32
    %broadcast_in_dim3A_294 = vector.broadcast %broadcast_in_dim3A_293 : i32 to vector<1x8xi32>
    %slice3A_295 = vector.extract_strided_slice %add3A_292 {offsets = [0, 0], sizes = [1, 1016], strides = [1, 1]} : vector<1x1024xi32> to vector<1x1016xi32>
    %concatenate3A_296 = tpu.concatenate %broadcast_in_dim3A_294, %slice3A_295 in 1 : vector<1x8xi32>, vector<1x1016xi32> -> vector<1x1024xi32>
    %add3A_297 = arith.addi %add3A_292, %concatenate3A_296 : vector<1x1024xi32>
    %broadcast_in_dim3A_298 = arith.constant 0 : i32
    %broadcast_in_dim3A_299 = vector.broadcast %broadcast_in_dim3A_298 : i32 to vector<1x16xi32>
    %slice3A_300 = vector.extract_strided_slice %add3A_297 {offsets = [0, 0], sizes = [1, 1008], strides = [1, 1]} : vector<1x1024xi32> to vector<1x1008xi32>
    %concatenate3A_301 = tpu.concatenate %broadcast_in_dim3A_299, %slice3A_300 in 1 : vector<1x16xi32>, vector<1x1008xi32> -> vector<1x1024xi32>
    %add3A_302 = arith.addi %add3A_297, %concatenate3A_301 : vector<1x1024xi32>
    %broadcast_in_dim3A_303 = arith.constant 0 : i32
    %broadcast_in_dim3A_304 = vector.broadcast %broadcast_in_dim3A_303 : i32 to vector<1x32xi32>
    %slice3A_305 = vector.extract_strided_slice %add3A_302 {offsets = [0, 0], sizes = [1, 992], strides = [1, 1]} : vector<1x1024xi32> to vector<1x992xi32>
    %concatenate3A_306 = tpu.concatenate %broadcast_in_dim3A_304, %slice3A_305 in 1 : vector<1x32xi32>, vector<1x992xi32> -> vector<1x1024xi32>
    %add3A_307 = arith.addi %add3A_302, %concatenate3A_306 : vector<1x1024xi32>
    %broadcast_in_dim3A_308 = arith.constant 0 : i32
    %broadcast_in_dim3A_309 = vector.broadcast %broadcast_in_dim3A_308 : i32 to vector<1x64xi32>
    %slice3A_310 = vector.extract_strided_slice %add3A_307 {offsets = [0, 0], sizes = [1, 960], strides = [1, 1]} : vector<1x1024xi32> to vector<1x960xi32>
    %concatenate3A_311 = tpu.concatenate %broadcast_in_dim3A_309, %slice3A_310 in 1 : vector<1x64xi32>, vector<1x960xi32> -> vector<1x1024xi32>
    %add3A_312 = arith.addi %add3A_307, %concatenate3A_311 : vector<1x1024xi32>
    %broadcast_in_dim3A_313 = arith.constant 0 : i32
    %broadcast_in_dim3A_314 = vector.broadcast %broadcast_in_dim3A_313 : i32 to vector<1x128xi32>
    %slice3A_315 = vector.extract_strided_slice %add3A_312 {offsets = [0, 0], sizes = [1, 896], strides = [1, 1]} : vector<1x1024xi32> to vector<1x896xi32>
    %concatenate3A_316 = tpu.concatenate %broadcast_in_dim3A_314, %slice3A_315 in 1 : vector<1x128xi32>, vector<1x896xi32> -> vector<1x1024xi32>
    %add3A_317 = arith.addi %add3A_312, %concatenate3A_316 : vector<1x1024xi32>
    %broadcast_in_dim3A_318 = arith.constant 0 : i32
    %broadcast_in_dim3A_319 = vector.broadcast %broadcast_in_dim3A_318 : i32 to vector<1x256xi32>
    %slice3A_320 = vector.extract_strided_slice %add3A_317 {offsets = [0, 0], sizes = [1, 768], strides = [1, 1]} : vector<1x1024xi32> to vector<1x768xi32>
    %concatenate3A_321 = tpu.concatenate %broadcast_in_dim3A_319, %slice3A_320 in 1 : vector<1x256xi32>, vector<1x768xi32> -> vector<1x1024xi32>
    %add3A_322 = arith.addi %add3A_317, %concatenate3A_321 : vector<1x1024xi32>
    %broadcast_in_dim3A_323 = arith.constant 0 : i32
    %broadcast_in_dim3A_324 = vector.broadcast %broadcast_in_dim3A_323 : i32 to vector<1x512xi32>
    %slice3A_325 = vector.extract_strided_slice %add3A_322 {offsets = [0, 0], sizes = [1, 512], strides = [1, 1]} : vector<1x1024xi32> to vector<1x512xi32>
    %concatenate3A_326 = tpu.concatenate %broadcast_in_dim3A_324, %slice3A_325 in 1 : vector<1x512xi32>, vector<1x512xi32> -> vector<1x1024xi32>
    %add3A_327 = arith.addi %add3A_322, %concatenate3A_326 : vector<1x1024xi32>
    %sub3A_328 = arith.subi %add3A_327, %convert_element_type3A_271 : vector<1x1024xi32>
    %broadcast_in_dim3A_329 = arith.constant 0 : i32
    %broadcast_in_dim3A_330 = vector.broadcast %broadcast_in_dim3A_329 : i32 to vector<1x1xi32>
    %slice3A_331 = vector.extract_strided_slice %convert_element_type3A_274 {offsets = [0, 0], sizes = [1, 1023], strides = [1, 1]} : vector<1x1024xi32> to vector<1x1023xi32>
    %concatenate3A_332 = tpu.concatenate %broadcast_in_dim3A_330, %slice3A_331 in 1 : vector<1x1xi32>, vector<1x1023xi32> -> vector<1x1024xi32>
    %add3A_333 = arith.addi %convert_element_type3A_274, %concatenate3A_332 : vector<1x1024xi32>
    %broadcast_in_dim3A_334 = arith.constant 0 : i32
    %broadcast_in_dim3A_335 = vector.broadcast %broadcast_in_dim3A_334 : i32 to vector<1x2xi32>
    %slice3A_336 = vector.extract_strided_slice %add3A_333 {offsets = [0, 0], sizes = [1, 1022], strides = [1, 1]} : vector<1x1024xi32> to vector<1x1022xi32>
    %concatenate3A_337 = tpu.concatenate %broadcast_in_dim3A_335, %slice3A_336 in 1 : vector<1x2xi32>, vector<1x1022xi32> -> vector<1x1024xi32>
    %add3A_338 = arith.addi %add3A_333, %concatenate3A_337 : vector<1x1024xi32>
    %broadcast_in_dim3A_339 = arith.constant 0 : i32
    %broadcast_in_dim3A_340 = vector.broadcast %broadcast_in_dim3A_339 : i32 to vector<1x4xi32>
    %slice3A_341 = vector.extract_strided_slice %add3A_338 {offsets = [0, 0], sizes = [1, 1020], strides = [1, 1]} : vector<1x1024xi32> to vector<1x1020xi32>
    %concatenate3A_342 = tpu.concatenate %broadcast_in_dim3A_340, %slice3A_341 in 1 : vector<1x4xi32>, vector<1x1020xi32> -> vector<1x1024xi32>
    %add3A_343 = arith.addi %add3A_338, %concatenate3A_342 : vector<1x1024xi32>
    %broadcast_in_dim3A_344 = arith.constant 0 : i32
    %broadcast_in_dim3A_345 = vector.broadcast %broadcast_in_dim3A_344 : i32 to vector<1x8xi32>
    %slice3A_346 = vector.extract_strided_slice %add3A_343 {offsets = [0, 0], sizes = [1, 1016], strides = [1, 1]} : vector<1x1024xi32> to vector<1x1016xi32>
    %concatenate3A_347 = tpu.concatenate %broadcast_in_dim3A_345, %slice3A_346 in 1 : vector<1x8xi32>, vector<1x1016xi32> -> vector<1x1024xi32>
    %add3A_348 = arith.addi %add3A_343, %concatenate3A_347 : vector<1x1024xi32>
    %broadcast_in_dim3A_349 = arith.constant 0 : i32
    %broadcast_in_dim3A_350 = vector.broadcast %broadcast_in_dim3A_349 : i32 to vector<1x16xi32>
    %slice3A_351 = vector.extract_strided_slice %add3A_348 {offsets = [0, 0], sizes = [1, 1008], strides = [1, 1]} : vector<1x1024xi32> to vector<1x1008xi32>
    %concatenate3A_352 = tpu.concatenate %broadcast_in_dim3A_350, %slice3A_351 in 1 : vector<1x16xi32>, vector<1x1008xi32> -> vector<1x1024xi32>
    %add3A_353 = arith.addi %add3A_348, %concatenate3A_352 : vector<1x1024xi32>
    %broadcast_in_dim3A_354 = arith.constant 0 : i32
    %broadcast_in_dim3A_355 = vector.broadcast %broadcast_in_dim3A_354 : i32 to vector<1x32xi32>
    %slice3A_356 = vector.extract_strided_slice %add3A_353 {offsets = [0, 0], sizes = [1, 992], strides = [1, 1]} : vector<1x1024xi32> to vector<1x992xi32>
    %concatenate3A_357 = tpu.concatenate %broadcast_in_dim3A_355, %slice3A_356 in 1 : vector<1x32xi32>, vector<1x992xi32> -> vector<1x1024xi32>
    %add3A_358 = arith.addi %add3A_353, %concatenate3A_357 : vector<1x1024xi32>
    %broadcast_in_dim3A_359 = arith.constant 0 : i32
    %broadcast_in_dim3A_360 = vector.broadcast %broadcast_in_dim3A_359 : i32 to vector<1x64xi32>
    %slice3A_361 = vector.extract_strided_slice %add3A_358 {offsets = [0, 0], sizes = [1, 960], strides = [1, 1]} : vector<1x1024xi32> to vector<1x960xi32>
    %concatenate3A_362 = tpu.concatenate %broadcast_in_dim3A_360, %slice3A_361 in 1 : vector<1x64xi32>, vector<1x960xi32> -> vector<1x1024xi32>
    %add3A_363 = arith.addi %add3A_358, %concatenate3A_362 : vector<1x1024xi32>
    %broadcast_in_dim3A_364 = arith.constant 0 : i32
    %broadcast_in_dim3A_365 = vector.broadcast %broadcast_in_dim3A_364 : i32 to vector<1x128xi32>
    %slice3A_366 = vector.extract_strided_slice %add3A_363 {offsets = [0, 0], sizes = [1, 896], strides = [1, 1]} : vector<1x1024xi32> to vector<1x896xi32>
    %concatenate3A_367 = tpu.concatenate %broadcast_in_dim3A_365, %slice3A_366 in 1 : vector<1x128xi32>, vector<1x896xi32> -> vector<1x1024xi32>
    %add3A_368 = arith.addi %add3A_363, %concatenate3A_367 : vector<1x1024xi32>
    %broadcast_in_dim3A_369 = arith.constant 0 : i32
    %broadcast_in_dim3A_370 = vector.broadcast %broadcast_in_dim3A_369 : i32 to vector<1x256xi32>
    %slice3A_371 = vector.extract_strided_slice %add3A_368 {offsets = [0, 0], sizes = [1, 768], strides = [1, 1]} : vector<1x1024xi32> to vector<1x768xi32>
    %concatenate3A_372 = tpu.concatenate %broadcast_in_dim3A_370, %slice3A_371 in 1 : vector<1x256xi32>, vector<1x768xi32> -> vector<1x1024xi32>
    %add3A_373 = arith.addi %add3A_368, %concatenate3A_372 : vector<1x1024xi32>
    %broadcast_in_dim3A_374 = arith.constant 0 : i32
    %broadcast_in_dim3A_375 = vector.broadcast %broadcast_in_dim3A_374 : i32 to vector<1x512xi32>
    %slice3A_376 = vector.extract_strided_slice %add3A_373 {offsets = [0, 0], sizes = [1, 512], strides = [1, 1]} : vector<1x1024xi32> to vector<1x512xi32>
    %concatenate3A_377 = tpu.concatenate %broadcast_in_dim3A_375, %slice3A_376 in 1 : vector<1x512xi32>, vector<1x512xi32> -> vector<1x1024xi32>
    %add3A_378 = arith.addi %add3A_373, %concatenate3A_377 : vector<1x1024xi32>
    %sub3A_379 = arith.subi %add3A_378, %convert_element_type3A_274 : vector<1x1024xi32>
    %add3A_380 = vector.broadcast %broadcast_in_dim3A_277 : vector<1x1xi32> to vector<1x1024xi32>
    %add3A_381 = arith.addi %add3A_380, %sub3A_379 : vector<1x1024xi32>
    %lt3A_382 = arith.constant 128 : i32
    %lt3A_383 = vector.broadcast %lt3A_382 : i32 to vector<1x1024xi32>
    %lt3A_384 = arith.cmpi slt, %add3A_381, %lt3A_383 : vector<1x1024xi32>
    %convert_element_type3A_385 = arith.extui %lt3A_384 : vector<1x1024xi1> to vector<1x1024xi32>
    %mul3A_386 = arith.muli %convert_element_type3A_274, %convert_element_type3A_385 : vector<1x1024xi32>
    %transpose3A_387 = tpu.transpose %convert_element_type3A_271, [1, 0] : vector<1x1024xi32> -> vector<1024x1xi32>
    %transpose3A_388 = tpu.transpose %sub3A_328, [1, 0] : vector<1x1024xi32> -> vector<1024x1xi32>
    %transpose3A_389 = tpu.transpose %add3A_381, [1, 0] : vector<1x1024xi32> -> vector<1024x1xi32>
    %transpose3A_390 = tpu.transpose %mul3A_386, [1, 0] : vector<1x1024xi32> -> vector<1024x1xi32>
    %broadcast_in_dim3A_391 = vector.shape_cast %transpose3A_388 : vector<1024x1xi32> to vector<1024x1xi32>
    %broadcast_in_dim3A_392 = vector.broadcast %broadcast_in_dim3A_391 : vector<1024x1xi32> to vector<1024x128xi32>
    %eq3A_393 = arith.cmpi eq, %broadcast_in_dim3A_392, %iota3A_80 : vector<1024x128xi32>
    %broadcast_in_dim3A_394 = vector.shape_cast %transpose3A_387 : vector<1024x1xi32> to vector<1024x1xi32>
    %broadcast_in_dim3A_395 = vector.broadcast %broadcast_in_dim3A_394 : vector<1024x1xi32> to vector<1024x128xi32>
    %gt3A_396 = arith.constant 0 : i32
    %gt3A_397 = vector.broadcast %gt3A_396 : i32 to vector<1024x128xi32>
    %gt3A_398 = arith.cmpi sgt, %broadcast_in_dim3A_395, %gt3A_397 : vector<1024x128xi32>
    %and3A_399 = arith.andi %eq3A_393, %gt3A_398 : vector<1024x128xi1>
    %broadcast_in_dim3A_400 = vector.shape_cast %bitcast_convert_type3A_29 : vector<1024x1xi32> to vector<1024x1xi32>
    %broadcast_in_dim3A_401 = vector.broadcast %broadcast_in_dim3A_400 : vector<1024x1xi32> to vector<1024x128xi32>
    %jit3A_402 = arith.constant 0 : i32
    %broadcast_in_dim3A_403 = vector.broadcast %jit3A_402 : i32 to vector<1024x128xi32>
    %select_n3A_404 = arith.select %and3A_399, %broadcast_in_dim3A_401, %broadcast_in_dim3A_403 : vector<1024x128xi1>, vector<1024x128xi32>
    %reduce_sum3A_405 = arith.constant dense<0> : vector<128xi32>
    %reduce_sum3A_406 = vector.multi_reduction <add>, %select_n3A_404, %reduce_sum3A_405 [0] : vector<1024x128xi32> to vector<128xi32>
    %broadcast_in_dim3A_407 = vector.shape_cast %reduce_sum3A_406 : vector<128xi32> to vector<1x128xi32>
    %jit3A_408 = arith.constant 0 : i32
    %broadcast_in_dim3A_409 = vector.broadcast %jit3A_408 : i32 to vector<1024x128xi32>
    %select_n3A_410 = arith.select %and3A_399, %iota3A_81, %broadcast_in_dim3A_409 : vector<1024x128xi1>, vector<1024x128xi32>
    %reduce_sum3A_411 = arith.constant dense<0> : vector<128xi32>
    %reduce_sum3A_412 = vector.multi_reduction <add>, %select_n3A_410, %reduce_sum3A_411 [0] : vector<1024x128xi32> to vector<128xi32>
    %broadcast_in_dim3A_413 = vector.shape_cast %reduce_sum3A_412 : vector<128xi32> to vector<1x128xi32>
    %transpose3A_414 = tpu.transpose %broadcast_in_dim3A_407, [1, 0] : vector<1x128xi32> -> vector<128x1xi32>
    %broadcast_in_dim3A_415 = vector.shape_cast %transpose3A_414 : vector<128x1xi32> to vector<128x1xi32>
    %broadcast_in_dim3A_416 = vector.broadcast %broadcast_in_dim3A_415 : vector<128x1xi32> to vector<128x128xi32>
    %ge3A_417 = arith.cmpi sge, %iota3A_79, %iota3A : vector<128x128xi32>
    %convert_element_type3A_418 = arith.extui %ge3A_417 : vector<128x128xi1> to vector<128x128xi32>
    %add3A_419 = arith.addi %broadcast_in_dim3A_416, %convert_element_type3A_418 : vector<128x128xi32>
    %broadcast_in_dim3A_420 = vector.shape_cast %broadcast_in_dim3A_407 : vector<1x128xi32> to vector<1x128xi32>
    %broadcast_in_dim3A_421 = vector.broadcast %broadcast_in_dim3A_420 : vector<1x128xi32> to vector<128x128xi32>
    %ge3A_422 = arith.cmpi sge, %broadcast_in_dim3A_421, %add3A_419 : vector<128x128xi32>
    %convert_element_type3A_423 = arith.extui %ge3A_422 : vector<128x128xi1> to vector<128x128xi32>
    %reduce_sum3A_424 = arith.constant dense<0> : vector<128xi32>
    %reduce_sum3A_425 = vector.multi_reduction <add>, %convert_element_type3A_423, %reduce_sum3A_424 [1] : vector<128x128xi32> to vector<128xi32>
    %broadcast_in_dim3A_426 = vector.shape_cast %reduce_sum3A_425 : vector<128xi32> to vector<128x1xi32>
    %transpose3A_427 = tpu.transpose %broadcast_in_dim3A_413, [1, 0] : vector<1x128xi32> -> vector<128x1xi32>
    %broadcast_in_dim3A_428 = vector.shape_cast %broadcast_in_dim3A_426 : vector<128x1xi32> to vector<128x1xi32>
    %broadcast_in_dim3A_429 = vector.broadcast %broadcast_in_dim3A_428 : vector<128x1xi32> to vector<128x128xi32>
    %eq3A_430 = arith.cmpi eq, %broadcast_in_dim3A_429, %iota3A_79 : vector<128x128xi32>
    %lt3A_431 = vector.broadcast %broadcast_in_dim3A_277 : vector<1x1xi32> to vector<128x128xi32>
    %lt3A_432 = arith.cmpi slt, %iota3A, %lt3A_431 : vector<128x128xi32>
    %and3A_433 = arith.andi %eq3A_430, %lt3A_432 : vector<128x128xi1>
    %broadcast_in_dim3A_434 = vector.shape_cast %transpose3A_427 : vector<128x1xi32> to vector<128x1xi32>
    %broadcast_in_dim3A_435 = vector.broadcast %broadcast_in_dim3A_434 : vector<128x1xi32> to vector<128x128xi32>
    %jit3A_436 = arith.constant 0 : i32
    %broadcast_in_dim3A_437 = vector.broadcast %jit3A_436 : i32 to vector<128x128xi32>
    %select_n3A_438 = arith.select %and3A_433, %broadcast_in_dim3A_435, %broadcast_in_dim3A_437 : vector<128x128xi1>, vector<128x128xi32>
    %reduce_sum3A_439 = arith.constant dense<0> : vector<128xi32>
    %reduce_sum3A_440 = vector.multi_reduction <add>, %select_n3A_438, %reduce_sum3A_439 [0] : vector<128x128xi32> to vector<128xi32>
    %broadcast_in_dim3A_441 = vector.shape_cast %reduce_sum3A_440 : vector<128xi32> to vector<1x128xi32>
    %broadcast_in_dim3A_442 = vector.shape_cast %transpose3A_389 : vector<1024x1xi32> to vector<1024x1xi32>
    %broadcast_in_dim3A_443 = vector.broadcast %broadcast_in_dim3A_442 : vector<1024x1xi32> to vector<1024x128xi32>
    %eq3A_444 = arith.cmpi eq, %broadcast_in_dim3A_443, %iota3A_80 : vector<1024x128xi32>
    %broadcast_in_dim3A_445 = vector.shape_cast %transpose3A_390 : vector<1024x1xi32> to vector<1024x1xi32>
    %broadcast_in_dim3A_446 = vector.broadcast %broadcast_in_dim3A_445 : vector<1024x1xi32> to vector<1024x128xi32>
    %gt3A_447 = arith.constant 0 : i32
    %gt3A_448 = vector.broadcast %gt3A_447 : i32 to vector<1024x128xi32>
    %gt3A_449 = arith.cmpi sgt, %broadcast_in_dim3A_446, %gt3A_448 : vector<1024x128xi32>
    %and3A_450 = arith.andi %eq3A_444, %gt3A_449 : vector<1024x128xi1>
    %jit3A_451 = arith.constant 0 : i32
    %broadcast_in_dim3A_452 = vector.broadcast %jit3A_451 : i32 to vector<1024x128xi32>
    %select_n3A_453 = arith.select %and3A_450, %iota3A_81, %broadcast_in_dim3A_452 : vector<1024x128xi1>, vector<1024x128xi32>
    %reduce_sum3A_454 = arith.constant dense<0> : vector<128xi32>
    %reduce_sum3A_455 = vector.multi_reduction <add>, %select_n3A_453, %reduce_sum3A_454 [0] : vector<1024x128xi32> to vector<128xi32>
    %broadcast_in_dim3A_456 = vector.shape_cast %reduce_sum3A_455 : vector<128xi32> to vector<1x128xi32>
    %add3A_457 = arith.addi %broadcast_in_dim3A_441, %broadcast_in_dim3A_456 : vector<1x128xi32>
    %broadcast_in_dim3A_458 = vector.shape_cast %add3A_457 : vector<1x128xi32> to vector<1x128xi32>
    %broadcast_in_dim3A_459 = vector.broadcast %broadcast_in_dim3A_458 : vector<1x128xi32> to vector<8x128xi32>
    %swap3A_460 = arith.constant 1 : index
    %swap3A_461 = arith.constant 0 : index
    %swap3A_462 = arith.constant 0 : index
    %swap3A_463 = vector.load %arg2[%swap3A_460, %swap3A_461, %swap3A_462] : memref<4x8x128xi32, #tpu.memory_space<vmem>>, vector<1x8x128xi32>
    %swap3A_464 = vector.shape_cast %swap3A_463 : vector<1x8x128xi32> to vector<8x128xi32>
    %swap3A_465 = vector.shape_cast %broadcast_in_dim3A_459 : vector<8x128xi32> to vector<1x8x128xi32>
    tpu.vector_store %arg2[%swap3A_460, %swap3A_461, %swap3A_462], %swap3A_465 {strides = array<i32>} : memref<4x8x128xi32, #tpu.memory_space<vmem>>, vector<1x8x128xi32>,
    %slice3A_466 = vector.extract_strided_slice %scan3A_78#0 {offsets = [2, 0], sizes = [1, 1], strides = [1, 1]} : vector<4x1xi32> to vector<1x1xi32>
    %gt3A_467 = vector.broadcast %slice3A_466 : vector<1x1xi32> to vector<1x1024xi32>
    %gt3A_468 = arith.cmpi sgt, %transpose3A_50, %gt3A_467 : vector<1x1024xi32>
    %convert_element_type3A_469 = arith.extui %gt3A_468 : vector<1x1024xi1> to vector<1x1024xi32>
    %eq3A_470 = vector.broadcast %slice3A_466 : vector<1x1xi32> to vector<1x1024xi32>
    %eq3A_471 = arith.cmpi eq, %transpose3A_50, %eq3A_470 : vector<1x1024xi32>
    %convert_element_type3A_472 = arith.extui %eq3A_471 : vector<1x1024xi1> to vector<1x1024xi32>
    %reduce_sum3A_473 = arith.constant dense<0> : vector<1xi32>
    %reduce_sum3A_474 = vector.multi_reduction <add>, %convert_element_type3A_469, %reduce_sum3A_473 [1] : vector<1x1024xi32> to vector<1xi32>
    %broadcast_in_dim3A_475 = vector.shape_cast %reduce_sum3A_474 : vector<1xi32> to vector<1x1xi32>
    %broadcast_in_dim3A_476 = arith.constant 0 : i32
    %broadcast_in_dim3A_477 = vector.broadcast %broadcast_in_dim3A_476 : i32 to vector<1x1xi32>
    %slice3A_478 = vector.extract_strided_slice %convert_element_type3A_469 {offsets = [0, 0], sizes = [1, 1023], strides = [1, 1]} : vector<1x1024xi32> to vector<1x1023xi32>
    %concatenate3A_479 = tpu.concatenate %broadcast_in_dim3A_477, %slice3A_478 in 1 : vector<1x1xi32>, vector<1x1023xi32> -> vector<1x1024xi32>
    %add3A_480 = arith.addi %convert_element_type3A_469, %concatenate3A_479 : vector<1x1024xi32>
    %broadcast_in_dim3A_481 = arith.constant 0 : i32
    %broadcast_in_dim3A_482 = vector.broadcast %broadcast_in_dim3A_481 : i32 to vector<1x2xi32>
    %slice3A_483 = vector.extract_strided_slice %add3A_480 {offsets = [0, 0], sizes = [1, 1022], strides = [1, 1]} : vector<1x1024xi32> to vector<1x1022xi32>
    %concatenate3A_484 = tpu.concatenate %broadcast_in_dim3A_482, %slice3A_483 in 1 : vector<1x2xi32>, vector<1x1022xi32> -> vector<1x1024xi32>
    %add3A_485 = arith.addi %add3A_480, %concatenate3A_484 : vector<1x1024xi32>
    %broadcast_in_dim3A_486 = arith.constant 0 : i32
    %broadcast_in_dim3A_487 = vector.broadcast %broadcast_in_dim3A_486 : i32 to vector<1x4xi32>
    %slice3A_488 = vector.extract_strided_slice %add3A_485 {offsets = [0, 0], sizes = [1, 1020], strides = [1, 1]} : vector<1x1024xi32> to vector<1x1020xi32>
    %concatenate3A_489 = tpu.concatenate %broadcast_in_dim3A_487, %slice3A_488 in 1 : vector<1x4xi32>, vector<1x1020xi32> -> vector<1x1024xi32>
    %add3A_490 = arith.addi %add3A_485, %concatenate3A_489 : vector<1x1024xi32>
    %broadcast_in_dim3A_491 = arith.constant 0 : i32
    %broadcast_in_dim3A_492 = vector.broadcast %broadcast_in_dim3A_491 : i32 to vector<1x8xi32>
    %slice3A_493 = vector.extract_strided_slice %add3A_490 {offsets = [0, 0], sizes = [1, 1016], strides = [1, 1]} : vector<1x1024xi32> to vector<1x1016xi32>
    %concatenate3A_494 = tpu.concatenate %broadcast_in_dim3A_492, %slice3A_493 in 1 : vector<1x8xi32>, vector<1x1016xi32> -> vector<1x1024xi32>
    %add3A_495 = arith.addi %add3A_490, %concatenate3A_494 : vector<1x1024xi32>
    %broadcast_in_dim3A_496 = arith.constant 0 : i32
    %broadcast_in_dim3A_497 = vector.broadcast %broadcast_in_dim3A_496 : i32 to vector<1x16xi32>
    %slice3A_498 = vector.extract_strided_slice %add3A_495 {offsets = [0, 0], sizes = [1, 1008], strides = [1, 1]} : vector<1x1024xi32> to vector<1x1008xi32>
    %concatenate3A_499 = tpu.concatenate %broadcast_in_dim3A_497, %slice3A_498 in 1 : vector<1x16xi32>, vector<1x1008xi32> -> vector<1x1024xi32>
    %add3A_500 = arith.addi %add3A_495, %concatenate3A_499 : vector<1x1024xi32>
    %broadcast_in_dim3A_501 = arith.constant 0 : i32
    %broadcast_in_dim3A_502 = vector.broadcast %broadcast_in_dim3A_501 : i32 to vector<1x32xi32>
    %slice3A_503 = vector.extract_strided_slice %add3A_500 {offsets = [0, 0], sizes = [1, 992], strides = [1, 1]} : vector<1x1024xi32> to vector<1x992xi32>
    %concatenate3A_504 = tpu.concatenate %broadcast_in_dim3A_502, %slice3A_503 in 1 : vector<1x32xi32>, vector<1x992xi32> -> vector<1x1024xi32>
    %add3A_505 = arith.addi %add3A_500, %concatenate3A_504 : vector<1x1024xi32>
    %broadcast_in_dim3A_506 = arith.constant 0 : i32
    %broadcast_in_dim3A_507 = vector.broadcast %broadcast_in_dim3A_506 : i32 to vector<1x64xi32>
    %slice3A_508 = vector.extract_strided_slice %add3A_505 {offsets = [0, 0], sizes = [1, 960], strides = [1, 1]} : vector<1x1024xi32> to vector<1x960xi32>
    %concatenate3A_509 = tpu.concatenate %broadcast_in_dim3A_507, %slice3A_508 in 1 : vector<1x64xi32>, vector<1x960xi32> -> vector<1x1024xi32>
    %add3A_510 = arith.addi %add3A_505, %concatenate3A_509 : vector<1x1024xi32>
    %broadcast_in_dim3A_511 = arith.constant 0 : i32
    %broadcast_in_dim3A_512 = vector.broadcast %broadcast_in_dim3A_511 : i32 to vector<1x128xi32>
    %slice3A_513 = vector.extract_strided_slice %add3A_510 {offsets = [0, 0], sizes = [1, 896], strides = [1, 1]} : vector<1x1024xi32> to vector<1x896xi32>
    %concatenate3A_514 = tpu.concatenate %broadcast_in_dim3A_512, %slice3A_513 in 1 : vector<1x128xi32>, vector<1x896xi32> -> vector<1x1024xi32>
    %add3A_515 = arith.addi %add3A_510, %concatenate3A_514 : vector<1x1024xi32>
    %broadcast_in_dim3A_516 = arith.constant 0 : i32
    %broadcast_in_dim3A_517 = vector.broadcast %broadcast_in_dim3A_516 : i32 to vector<1x256xi32>
    %slice3A_518 = vector.extract_strided_slice %add3A_515 {offsets = [0, 0], sizes = [1, 768], strides = [1, 1]} : vector<1x1024xi32> to vector<1x768xi32>
    %concatenate3A_519 = tpu.concatenate %broadcast_in_dim3A_517, %slice3A_518 in 1 : vector<1x256xi32>, vector<1x768xi32> -> vector<1x1024xi32>
    %add3A_520 = arith.addi %add3A_515, %concatenate3A_519 : vector<1x1024xi32>
    %broadcast_in_dim3A_521 = arith.constant 0 : i32
    %broadcast_in_dim3A_522 = vector.broadcast %broadcast_in_dim3A_521 : i32 to vector<1x512xi32>
    %slice3A_523 = vector.extract_strided_slice %add3A_520 {offsets = [0, 0], sizes = [1, 512], strides = [1, 1]} : vector<1x1024xi32> to vector<1x512xi32>
    %concatenate3A_524 = tpu.concatenate %broadcast_in_dim3A_522, %slice3A_523 in 1 : vector<1x512xi32>, vector<1x512xi32> -> vector<1x1024xi32>
    %add3A_525 = arith.addi %add3A_520, %concatenate3A_524 : vector<1x1024xi32>
    %sub3A_526 = arith.subi %add3A_525, %convert_element_type3A_469 : vector<1x1024xi32>
    %broadcast_in_dim3A_527 = arith.constant 0 : i32
    %broadcast_in_dim3A_528 = vector.broadcast %broadcast_in_dim3A_527 : i32 to vector<1x1xi32>
    %slice3A_529 = vector.extract_strided_slice %convert_element_type3A_472 {offsets = [0, 0], sizes = [1, 1023], strides = [1, 1]} : vector<1x1024xi32> to vector<1x1023xi32>
    %concatenate3A_530 = tpu.concatenate %broadcast_in_dim3A_528, %slice3A_529 in 1 : vector<1x1xi32>, vector<1x1023xi32> -> vector<1x1024xi32>
    %add3A_531 = arith.addi %convert_element_type3A_472, %concatenate3A_530 : vector<1x1024xi32>
    %broadcast_in_dim3A_532 = arith.constant 0 : i32
    %broadcast_in_dim3A_533 = vector.broadcast %broadcast_in_dim3A_532 : i32 to vector<1x2xi32>
    %slice3A_534 = vector.extract_strided_slice %add3A_531 {offsets = [0, 0], sizes = [1, 1022], strides = [1, 1]} : vector<1x1024xi32> to vector<1x1022xi32>
    %concatenate3A_535 = tpu.concatenate %broadcast_in_dim3A_533, %slice3A_534 in 1 : vector<1x2xi32>, vector<1x1022xi32> -> vector<1x1024xi32>
    %add3A_536 = arith.addi %add3A_531, %concatenate3A_535 : vector<1x1024xi32>
    %broadcast_in_dim3A_537 = arith.constant 0 : i32
    %broadcast_in_dim3A_538 = vector.broadcast %broadcast_in_dim3A_537 : i32 to vector<1x4xi32>
    %slice3A_539 = vector.extract_strided_slice %add3A_536 {offsets = [0, 0], sizes = [1, 1020], strides = [1, 1]} : vector<1x1024xi32> to vector<1x1020xi32>
    %concatenate3A_540 = tpu.concatenate %broadcast_in_dim3A_538, %slice3A_539 in 1 : vector<1x4xi32>, vector<1x1020xi32> -> vector<1x1024xi32>
    %add3A_541 = arith.addi %add3A_536, %concatenate3A_540 : vector<1x1024xi32>
    %broadcast_in_dim3A_542 = arith.constant 0 : i32
    %broadcast_in_dim3A_543 = vector.broadcast %broadcast_in_dim3A_542 : i32 to vector<1x8xi32>
    %slice3A_544 = vector.extract_strided_slice %add3A_541 {offsets = [0, 0], sizes = [1, 1016], strides = [1, 1]} : vector<1x1024xi32> to vector<1x1016xi32>
    %concatenate3A_545 = tpu.concatenate %broadcast_in_dim3A_543, %slice3A_544 in 1 : vector<1x8xi32>, vector<1x1016xi32> -> vector<1x1024xi32>
    %add3A_546 = arith.addi %add3A_541, %concatenate3A_545 : vector<1x1024xi32>
    %broadcast_in_dim3A_547 = arith.constant 0 : i32
    %broadcast_in_dim3A_548 = vector.broadcast %broadcast_in_dim3A_547 : i32 to vector<1x16xi32>
    %slice3A_549 = vector.extract_strided_slice %add3A_546 {offsets = [0, 0], sizes = [1, 1008], strides = [1, 1]} : vector<1x1024xi32> to vector<1x1008xi32>
    %concatenate3A_550 = tpu.concatenate %broadcast_in_dim3A_548, %slice3A_549 in 1 : vector<1x16xi32>, vector<1x1008xi32> -> vector<1x1024xi32>
    %add3A_551 = arith.addi %add3A_546, %concatenate3A_550 : vector<1x1024xi32>
    %broadcast_in_dim3A_552 = arith.constant 0 : i32
    %broadcast_in_dim3A_553 = vector.broadcast %broadcast_in_dim3A_552 : i32 to vector<1x32xi32>
    %slice3A_554 = vector.extract_strided_slice %add3A_551 {offsets = [0, 0], sizes = [1, 992], strides = [1, 1]} : vector<1x1024xi32> to vector<1x992xi32>
    %concatenate3A_555 = tpu.concatenate %broadcast_in_dim3A_553, %slice3A_554 in 1 : vector<1x32xi32>, vector<1x992xi32> -> vector<1x1024xi32>
    %add3A_556 = arith.addi %add3A_551, %concatenate3A_555 : vector<1x1024xi32>
    %broadcast_in_dim3A_557 = arith.constant 0 : i32
    %broadcast_in_dim3A_558 = vector.broadcast %broadcast_in_dim3A_557 : i32 to vector<1x64xi32>
    %slice3A_559 = vector.extract_strided_slice %add3A_556 {offsets = [0, 0], sizes = [1, 960], strides = [1, 1]} : vector<1x1024xi32> to vector<1x960xi32>
    %concatenate3A_560 = tpu.concatenate %broadcast_in_dim3A_558, %slice3A_559 in 1 : vector<1x64xi32>, vector<1x960xi32> -> vector<1x1024xi32>
    %add3A_561 = arith.addi %add3A_556, %concatenate3A_560 : vector<1x1024xi32>
    %broadcast_in_dim3A_562 = arith.constant 0 : i32
    %broadcast_in_dim3A_563 = vector.broadcast %broadcast_in_dim3A_562 : i32 to vector<1x128xi32>
    %slice3A_564 = vector.extract_strided_slice %add3A_561 {offsets = [0, 0], sizes = [1, 896], strides = [1, 1]} : vector<1x1024xi32> to vector<1x896xi32>
    %concatenate3A_565 = tpu.concatenate %broadcast_in_dim3A_563, %slice3A_564 in 1 : vector<1x128xi32>, vector<1x896xi32> -> vector<1x1024xi32>
    %add3A_566 = arith.addi %add3A_561, %concatenate3A_565 : vector<1x1024xi32>
    %broadcast_in_dim3A_567 = arith.constant 0 : i32
    %broadcast_in_dim3A_568 = vector.broadcast %broadcast_in_dim3A_567 : i32 to vector<1x256xi32>
    %slice3A_569 = vector.extract_strided_slice %add3A_566 {offsets = [0, 0], sizes = [1, 768], strides = [1, 1]} : vector<1x1024xi32> to vector<1x768xi32>
    %concatenate3A_570 = tpu.concatenate %broadcast_in_dim3A_568, %slice3A_569 in 1 : vector<1x256xi32>, vector<1x768xi32> -> vector<1x1024xi32>
    %add3A_571 = arith.addi %add3A_566, %concatenate3A_570 : vector<1x1024xi32>
    %broadcast_in_dim3A_572 = arith.constant 0 : i32
    %broadcast_in_dim3A_573 = vector.broadcast %broadcast_in_dim3A_572 : i32 to vector<1x512xi32>
    %slice3A_574 = vector.extract_strided_slice %add3A_571 {offsets = [0, 0], sizes = [1, 512], strides = [1, 1]} : vector<1x1024xi32> to vector<1x512xi32>
    %concatenate3A_575 = tpu.concatenate %broadcast_in_dim3A_573, %slice3A_574 in 1 : vector<1x512xi32>, vector<1x512xi32> -> vector<1x1024xi32>
    %add3A_576 = arith.addi %add3A_571, %concatenate3A_575 : vector<1x1024xi32>
    %sub3A_577 = arith.subi %add3A_576, %convert_element_type3A_472 : vector<1x1024xi32>
    %add3A_578 = vector.broadcast %broadcast_in_dim3A_475 : vector<1x1xi32> to vector<1x1024xi32>
    %add3A_579 = arith.addi %add3A_578, %sub3A_577 : vector<1x1024xi32>
    %lt3A_580 = arith.constant 128 : i32
    %lt3A_581 = vector.broadcast %lt3A_580 : i32 to vector<1x1024xi32>
    %lt3A_582 = arith.cmpi slt, %add3A_579, %lt3A_581 : vector<1x1024xi32>
    %convert_element_type3A_583 = arith.extui %lt3A_582 : vector<1x1024xi1> to vector<1x1024xi32>
    %mul3A_584 = arith.muli %convert_element_type3A_472, %convert_element_type3A_583 : vector<1x1024xi32>
    %transpose3A_585 = tpu.transpose %convert_element_type3A_469, [1, 0] : vector<1x1024xi32> -> vector<1024x1xi32>
    %transpose3A_586 = tpu.transpose %sub3A_526, [1, 0] : vector<1x1024xi32> -> vector<1024x1xi32>
    %transpose3A_587 = tpu.transpose %add3A_579, [1, 0] : vector<1x1024xi32> -> vector<1024x1xi32>
    %transpose3A_588 = tpu.transpose %mul3A_584, [1, 0] : vector<1x1024xi32> -> vector<1024x1xi32>
    %broadcast_in_dim3A_589 = vector.shape_cast %transpose3A_586 : vector<1024x1xi32> to vector<1024x1xi32>
    %broadcast_in_dim3A_590 = vector.broadcast %broadcast_in_dim3A_589 : vector<1024x1xi32> to vector<1024x128xi32>
    %eq3A_591 = arith.cmpi eq, %broadcast_in_dim3A_590, %iota3A_80 : vector<1024x128xi32>
    %broadcast_in_dim3A_592 = vector.shape_cast %transpose3A_585 : vector<1024x1xi32> to vector<1024x1xi32>
    %broadcast_in_dim3A_593 = vector.broadcast %broadcast_in_dim3A_592 : vector<1024x1xi32> to vector<1024x128xi32>
    %gt3A_594 = arith.constant 0 : i32
    %gt3A_595 = vector.broadcast %gt3A_594 : i32 to vector<1024x128xi32>
    %gt3A_596 = arith.cmpi sgt, %broadcast_in_dim3A_593, %gt3A_595 : vector<1024x128xi32>
    %and3A_597 = arith.andi %eq3A_591, %gt3A_596 : vector<1024x128xi1>
    %broadcast_in_dim3A_598 = vector.shape_cast %bitcast_convert_type3A_49 : vector<1024x1xi32> to vector<1024x1xi32>
    %broadcast_in_dim3A_599 = vector.broadcast %broadcast_in_dim3A_598 : vector<1024x1xi32> to vector<1024x128xi32>
    %jit3A_600 = arith.constant 0 : i32
    %broadcast_in_dim3A_601 = vector.broadcast %jit3A_600 : i32 to vector<1024x128xi32>
    %select_n3A_602 = arith.select %and3A_597, %broadcast_in_dim3A_599, %broadcast_in_dim3A_601 : vector<1024x128xi1>, vector<1024x128xi32>
    %reduce_sum3A_603 = arith.constant dense<0> : vector<128xi32>
    %reduce_sum3A_604 = vector.multi_reduction <add>, %select_n3A_602, %reduce_sum3A_603 [0] : vector<1024x128xi32> to vector<128xi32>
    %broadcast_in_dim3A_605 = vector.shape_cast %reduce_sum3A_604 : vector<128xi32> to vector<1x128xi32>
    %jit3A_606 = arith.constant 0 : i32
    %broadcast_in_dim3A_607 = vector.broadcast %jit3A_606 : i32 to vector<1024x128xi32>
    %select_n3A_608 = arith.select %and3A_597, %iota3A_81, %broadcast_in_dim3A_607 : vector<1024x128xi1>, vector<1024x128xi32>
    %reduce_sum3A_609 = arith.constant dense<0> : vector<128xi32>
    %reduce_sum3A_610 = vector.multi_reduction <add>, %select_n3A_608, %reduce_sum3A_609 [0] : vector<1024x128xi32> to vector<128xi32>
    %broadcast_in_dim3A_611 = vector.shape_cast %reduce_sum3A_610 : vector<128xi32> to vector<1x128xi32>
    %transpose3A_612 = tpu.transpose %broadcast_in_dim3A_605, [1, 0] : vector<1x128xi32> -> vector<128x1xi32>
    %broadcast_in_dim3A_613 = vector.shape_cast %transpose3A_612 : vector<128x1xi32> to vector<128x1xi32>
    %broadcast_in_dim3A_614 = vector.broadcast %broadcast_in_dim3A_613 : vector<128x1xi32> to vector<128x128xi32>
    %ge3A_615 = arith.cmpi sge, %iota3A_79, %iota3A : vector<128x128xi32>
    %convert_element_type3A_616 = arith.extui %ge3A_615 : vector<128x128xi1> to vector<128x128xi32>
    %add3A_617 = arith.addi %broadcast_in_dim3A_614, %convert_element_type3A_616 : vector<128x128xi32>
    %broadcast_in_dim3A_618 = vector.shape_cast %broadcast_in_dim3A_605 : vector<1x128xi32> to vector<1x128xi32>
    %broadcast_in_dim3A_619 = vector.broadcast %broadcast_in_dim3A_618 : vector<1x128xi32> to vector<128x128xi32>
    %ge3A_620 = arith.cmpi sge, %broadcast_in_dim3A_619, %add3A_617 : vector<128x128xi32>
    %convert_element_type3A_621 = arith.extui %ge3A_620 : vector<128x128xi1> to vector<128x128xi32>
    %reduce_sum3A_622 = arith.constant dense<0> : vector<128xi32>
    %reduce_sum3A_623 = vector.multi_reduction <add>, %convert_element_type3A_621, %reduce_sum3A_622 [1] : vector<128x128xi32> to vector<128xi32>
    %broadcast_in_dim3A_624 = vector.shape_cast %reduce_sum3A_623 : vector<128xi32> to vector<128x1xi32>
    %transpose3A_625 = tpu.transpose %broadcast_in_dim3A_611, [1, 0] : vector<1x128xi32> -> vector<128x1xi32>
    %broadcast_in_dim3A_626 = vector.shape_cast %broadcast_in_dim3A_624 : vector<128x1xi32> to vector<128x1xi32>
    %broadcast_in_dim3A_627 = vector.broadcast %broadcast_in_dim3A_626 : vector<128x1xi32> to vector<128x128xi32>
    %eq3A_628 = arith.cmpi eq, %broadcast_in_dim3A_627, %iota3A_79 : vector<128x128xi32>
    %lt3A_629 = vector.broadcast %broadcast_in_dim3A_475 : vector<1x1xi32> to vector<128x128xi32>
    %lt3A_630 = arith.cmpi slt, %iota3A, %lt3A_629 : vector<128x128xi32>
    %and3A_631 = arith.andi %eq3A_628, %lt3A_630 : vector<128x128xi1>
    %broadcast_in_dim3A_632 = vector.shape_cast %transpose3A_625 : vector<128x1xi32> to vector<128x1xi32>
    %broadcast_in_dim3A_633 = vector.broadcast %broadcast_in_dim3A_632 : vector<128x1xi32> to vector<128x128xi32>
    %jit3A_634 = arith.constant 0 : i32
    %broadcast_in_dim3A_635 = vector.broadcast %jit3A_634 : i32 to vector<128x128xi32>
    %select_n3A_636 = arith.select %and3A_631, %broadcast_in_dim3A_633, %broadcast_in_dim3A_635 : vector<128x128xi1>, vector<128x128xi32>
    %reduce_sum3A_637 = arith.constant dense<0> : vector<128xi32>
    %reduce_sum3A_638 = vector.multi_reduction <add>, %select_n3A_636, %reduce_sum3A_637 [0] : vector<128x128xi32> to vector<128xi32>
    %broadcast_in_dim3A_639 = vector.shape_cast %reduce_sum3A_638 : vector<128xi32> to vector<1x128xi32>
    %broadcast_in_dim3A_640 = vector.shape_cast %transpose3A_587 : vector<1024x1xi32> to vector<1024x1xi32>
    %broadcast_in_dim3A_641 = vector.broadcast %broadcast_in_dim3A_640 : vector<1024x1xi32> to vector<1024x128xi32>
    %eq3A_642 = arith.cmpi eq, %broadcast_in_dim3A_641, %iota3A_80 : vector<1024x128xi32>
    %broadcast_in_dim3A_643 = vector.shape_cast %transpose3A_588 : vector<1024x1xi32> to vector<1024x1xi32>
    %broadcast_in_dim3A_644 = vector.broadcast %broadcast_in_dim3A_643 : vector<1024x1xi32> to vector<1024x128xi32>
    %gt3A_645 = arith.constant 0 : i32
    %gt3A_646 = vector.broadcast %gt3A_645 : i32 to vector<1024x128xi32>
    %gt3A_647 = arith.cmpi sgt, %broadcast_in_dim3A_644, %gt3A_646 : vector<1024x128xi32>
    %and3A_648 = arith.andi %eq3A_642, %gt3A_647 : vector<1024x128xi1>
    %jit3A_649 = arith.constant 0 : i32
    %broadcast_in_dim3A_650 = vector.broadcast %jit3A_649 : i32 to vector<1024x128xi32>
    %select_n3A_651 = arith.select %and3A_648, %iota3A_81, %broadcast_in_dim3A_650 : vector<1024x128xi1>, vector<1024x128xi32>
    %reduce_sum3A_652 = arith.constant dense<0> : vector<128xi32>
    %reduce_sum3A_653 = vector.multi_reduction <add>, %select_n3A_651, %reduce_sum3A_652 [0] : vector<1024x128xi32> to vector<128xi32>
    %broadcast_in_dim3A_654 = vector.shape_cast %reduce_sum3A_653 : vector<128xi32> to vector<1x128xi32>
    %add3A_655 = arith.addi %broadcast_in_dim3A_639, %broadcast_in_dim3A_654 : vector<1x128xi32>
    %broadcast_in_dim3A_656 = vector.shape_cast %add3A_655 : vector<1x128xi32> to vector<1x128xi32>
    %broadcast_in_dim3A_657 = vector.broadcast %broadcast_in_dim3A_656 : vector<1x128xi32> to vector<8x128xi32>
    %swap3A_658 = arith.constant 2 : index
    %swap3A_659 = arith.constant 0 : index
    %swap3A_660 = arith.constant 0 : index
    %swap3A_661 = vector.load %arg2[%swap3A_658, %swap3A_659, %swap3A_660] : memref<4x8x128xi32, #tpu.memory_space<vmem>>, vector<1x8x128xi32>
    %swap3A_662 = vector.shape_cast %swap3A_661 : vector<1x8x128xi32> to vector<8x128xi32>
    %swap3A_663 = vector.shape_cast %broadcast_in_dim3A_657 : vector<8x128xi32> to vector<1x8x128xi32>
    tpu.vector_store %arg2[%swap3A_658, %swap3A_659, %swap3A_660], %swap3A_663 {strides = array<i32>} : memref<4x8x128xi32, #tpu.memory_space<vmem>>, vector<1x8x128xi32>,
    %slice3A_664 = vector.extract_strided_slice %scan3A_78#0 {offsets = [3, 0], sizes = [1, 1], strides = [1, 1]} : vector<4x1xi32> to vector<1x1xi32>
    %gt3A_665 = vector.broadcast %slice3A_664 : vector<1x1xi32> to vector<1x1024xi32>
    %gt3A_666 = arith.cmpi sgt, %transpose3A_70, %gt3A_665 : vector<1x1024xi32>
    %convert_element_type3A_667 = arith.extui %gt3A_666 : vector<1x1024xi1> to vector<1x1024xi32>
    %eq3A_668 = vector.broadcast %slice3A_664 : vector<1x1xi32> to vector<1x1024xi32>
    %eq3A_669 = arith.cmpi eq, %transpose3A_70, %eq3A_668 : vector<1x1024xi32>
    %convert_element_type3A_670 = arith.extui %eq3A_669 : vector<1x1024xi1> to vector<1x1024xi32>
    %reduce_sum3A_671 = arith.constant dense<0> : vector<1xi32>
    %reduce_sum3A_672 = vector.multi_reduction <add>, %convert_element_type3A_667, %reduce_sum3A_671 [1] : vector<1x1024xi32> to vector<1xi32>
    %broadcast_in_dim3A_673 = vector.shape_cast %reduce_sum3A_672 : vector<1xi32> to vector<1x1xi32>
    %broadcast_in_dim3A_674 = arith.constant 0 : i32
    %broadcast_in_dim3A_675 = vector.broadcast %broadcast_in_dim3A_674 : i32 to vector<1x1xi32>
    %slice3A_676 = vector.extract_strided_slice %convert_element_type3A_667 {offsets = [0, 0], sizes = [1, 1023], strides = [1, 1]} : vector<1x1024xi32> to vector<1x1023xi32>
    %concatenate3A_677 = tpu.concatenate %broadcast_in_dim3A_675, %slice3A_676 in 1 : vector<1x1xi32>, vector<1x1023xi32> -> vector<1x1024xi32>
    %add3A_678 = arith.addi %convert_element_type3A_667, %concatenate3A_677 : vector<1x1024xi32>
    %broadcast_in_dim3A_679 = arith.constant 0 : i32
    %broadcast_in_dim3A_680 = vector.broadcast %broadcast_in_dim3A_679 : i32 to vector<1x2xi32>
    %slice3A_681 = vector.extract_strided_slice %add3A_678 {offsets = [0, 0], sizes = [1, 1022], strides = [1, 1]} : vector<1x1024xi32> to vector<1x1022xi32>
    %concatenate3A_682 = tpu.concatenate %broadcast_in_dim3A_680, %slice3A_681 in 1 : vector<1x2xi32>, vector<1x1022xi32> -> vector<1x1024xi32>
    %add3A_683 = arith.addi %add3A_678, %concatenate3A_682 : vector<1x1024xi32>
    %broadcast_in_dim3A_684 = arith.constant 0 : i32
    %broadcast_in_dim3A_685 = vector.broadcast %broadcast_in_dim3A_684 : i32 to vector<1x4xi32>
    %slice3A_686 = vector.extract_strided_slice %add3A_683 {offsets = [0, 0], sizes = [1, 1020], strides = [1, 1]} : vector<1x1024xi32> to vector<1x1020xi32>
    %concatenate3A_687 = tpu.concatenate %broadcast_in_dim3A_685, %slice3A_686 in 1 : vector<1x4xi32>, vector<1x1020xi32> -> vector<1x1024xi32>
    %add3A_688 = arith.addi %add3A_683, %concatenate3A_687 : vector<1x1024xi32>
    %broadcast_in_dim3A_689 = arith.constant 0 : i32
    %broadcast_in_dim3A_690 = vector.broadcast %broadcast_in_dim3A_689 : i32 to vector<1x8xi32>
    %slice3A_691 = vector.extract_strided_slice %add3A_688 {offsets = [0, 0], sizes = [1, 1016], strides = [1, 1]} : vector<1x1024xi32> to vector<1x1016xi32>
    %concatenate3A_692 = tpu.concatenate %broadcast_in_dim3A_690, %slice3A_691 in 1 : vector<1x8xi32>, vector<1x1016xi32> -> vector<1x1024xi32>
    %add3A_693 = arith.addi %add3A_688, %concatenate3A_692 : vector<1x1024xi32>
    %broadcast_in_dim3A_694 = arith.constant 0 : i32
    %broadcast_in_dim3A_695 = vector.broadcast %broadcast_in_dim3A_694 : i32 to vector<1x16xi32>
    %slice3A_696 = vector.extract_strided_slice %add3A_693 {offsets = [0, 0], sizes = [1, 1008], strides = [1, 1]} : vector<1x1024xi32> to vector<1x1008xi32>
    %concatenate3A_697 = tpu.concatenate %broadcast_in_dim3A_695, %slice3A_696 in 1 : vector<1x16xi32>, vector<1x1008xi32> -> vector<1x1024xi32>
    %add3A_698 = arith.addi %add3A_693, %concatenate3A_697 : vector<1x1024xi32>
    %broadcast_in_dim3A_699 = arith.constant 0 : i32
    %broadcast_in_dim3A_700 = vector.broadcast %broadcast_in_dim3A_699 : i32 to vector<1x32xi32>
    %slice3A_701 = vector.extract_strided_slice %add3A_698 {offsets = [0, 0], sizes = [1, 992], strides = [1, 1]} : vector<1x1024xi32> to vector<1x992xi32>
    %concatenate3A_702 = tpu.concatenate %broadcast_in_dim3A_700, %slice3A_701 in 1 : vector<1x32xi32>, vector<1x992xi32> -> vector<1x1024xi32>
    %add3A_703 = arith.addi %add3A_698, %concatenate3A_702 : vector<1x1024xi32>
    %broadcast_in_dim3A_704 = arith.constant 0 : i32
    %broadcast_in_dim3A_705 = vector.broadcast %broadcast_in_dim3A_704 : i32 to vector<1x64xi32>
    %slice3A_706 = vector.extract_strided_slice %add3A_703 {offsets = [0, 0], sizes = [1, 960], strides = [1, 1]} : vector<1x1024xi32> to vector<1x960xi32>
    %concatenate3A_707 = tpu.concatenate %broadcast_in_dim3A_705, %slice3A_706 in 1 : vector<1x64xi32>, vector<1x960xi32> -> vector<1x1024xi32>
    %add3A_708 = arith.addi %add3A_703, %concatenate3A_707 : vector<1x1024xi32>
    %broadcast_in_dim3A_709 = arith.constant 0 : i32
    %broadcast_in_dim3A_710 = vector.broadcast %broadcast_in_dim3A_709 : i32 to vector<1x128xi32>
    %slice3A_711 = vector.extract_strided_slice %add3A_708 {offsets = [0, 0], sizes = [1, 896], strides = [1, 1]} : vector<1x1024xi32> to vector<1x896xi32>
    %concatenate3A_712 = tpu.concatenate %broadcast_in_dim3A_710, %slice3A_711 in 1 : vector<1x128xi32>, vector<1x896xi32> -> vector<1x1024xi32>
    %add3A_713 = arith.addi %add3A_708, %concatenate3A_712 : vector<1x1024xi32>
    %broadcast_in_dim3A_714 = arith.constant 0 : i32
    %broadcast_in_dim3A_715 = vector.broadcast %broadcast_in_dim3A_714 : i32 to vector<1x256xi32>
    %slice3A_716 = vector.extract_strided_slice %add3A_713 {offsets = [0, 0], sizes = [1, 768], strides = [1, 1]} : vector<1x1024xi32> to vector<1x768xi32>
    %concatenate3A_717 = tpu.concatenate %broadcast_in_dim3A_715, %slice3A_716 in 1 : vector<1x256xi32>, vector<1x768xi32> -> vector<1x1024xi32>
    %add3A_718 = arith.addi %add3A_713, %concatenate3A_717 : vector<1x1024xi32>
    %broadcast_in_dim3A_719 = arith.constant 0 : i32
    %broadcast_in_dim3A_720 = vector.broadcast %broadcast_in_dim3A_719 : i32 to vector<1x512xi32>
    %slice3A_721 = vector.extract_strided_slice %add3A_718 {offsets = [0, 0], sizes = [1, 512], strides = [1, 1]} : vector<1x1024xi32> to vector<1x512xi32>
    %concatenate3A_722 = tpu.concatenate %broadcast_in_dim3A_720, %slice3A_721 in 1 : vector<1x512xi32>, vector<1x512xi32> -> vector<1x1024xi32>
    %add3A_723 = arith.addi %add3A_718, %concatenate3A_722 : vector<1x1024xi32>
    %sub3A_724 = arith.subi %add3A_723, %convert_element_type3A_667 : vector<1x1024xi32>
    %broadcast_in_dim3A_725 = arith.constant 0 : i32
    %broadcast_in_dim3A_726 = vector.broadcast %broadcast_in_dim3A_725 : i32 to vector<1x1xi32>
    %slice3A_727 = vector.extract_strided_slice %convert_element_type3A_670 {offsets = [0, 0], sizes = [1, 1023], strides = [1, 1]} : vector<1x1024xi32> to vector<1x1023xi32>
    %concatenate3A_728 = tpu.concatenate %broadcast_in_dim3A_726, %slice3A_727 in 1 : vector<1x1xi32>, vector<1x1023xi32> -> vector<1x1024xi32>
    %add3A_729 = arith.addi %convert_element_type3A_670, %concatenate3A_728 : vector<1x1024xi32>
    %broadcast_in_dim3A_730 = arith.constant 0 : i32
    %broadcast_in_dim3A_731 = vector.broadcast %broadcast_in_dim3A_730 : i32 to vector<1x2xi32>
    %slice3A_732 = vector.extract_strided_slice %add3A_729 {offsets = [0, 0], sizes = [1, 1022], strides = [1, 1]} : vector<1x1024xi32> to vector<1x1022xi32>
    %concatenate3A_733 = tpu.concatenate %broadcast_in_dim3A_731, %slice3A_732 in 1 : vector<1x2xi32>, vector<1x1022xi32> -> vector<1x1024xi32>
    %add3A_734 = arith.addi %add3A_729, %concatenate3A_733 : vector<1x1024xi32>
    %broadcast_in_dim3A_735 = arith.constant 0 : i32
    %broadcast_in_dim3A_736 = vector.broadcast %broadcast_in_dim3A_735 : i32 to vector<1x4xi32>
    %slice3A_737 = vector.extract_strided_slice %add3A_734 {offsets = [0, 0], sizes = [1, 1020], strides = [1, 1]} : vector<1x1024xi32> to vector<1x1020xi32>
    %concatenate3A_738 = tpu.concatenate %broadcast_in_dim3A_736, %slice3A_737 in 1 : vector<1x4xi32>, vector<1x1020xi32> -> vector<1x1024xi32>
    %add3A_739 = arith.addi %add3A_734, %concatenate3A_738 : vector<1x1024xi32>
    %broadcast_in_dim3A_740 = arith.constant 0 : i32
    %broadcast_in_dim3A_741 = vector.broadcast %broadcast_in_dim3A_740 : i32 to vector<1x8xi32>
    %slice3A_742 = vector.extract_strided_slice %add3A_739 {offsets = [0, 0], sizes = [1, 1016], strides = [1, 1]} : vector<1x1024xi32> to vector<1x1016xi32>
    %concatenate3A_743 = tpu.concatenate %broadcast_in_dim3A_741, %slice3A_742 in 1 : vector<1x8xi32>, vector<1x1016xi32> -> vector<1x1024xi32>
    %add3A_744 = arith.addi %add3A_739, %concatenate3A_743 : vector<1x1024xi32>
    %broadcast_in_dim3A_745 = arith.constant 0 : i32
    %broadcast_in_dim3A_746 = vector.broadcast %broadcast_in_dim3A_745 : i32 to vector<1x16xi32>
    %slice3A_747 = vector.extract_strided_slice %add3A_744 {offsets = [0, 0], sizes = [1, 1008], strides = [1, 1]} : vector<1x1024xi32> to vector<1x1008xi32>
    %concatenate3A_748 = tpu.concatenate %broadcast_in_dim3A_746, %slice3A_747 in 1 : vector<1x16xi32>, vector<1x1008xi32> -> vector<1x1024xi32>
    %add3A_749 = arith.addi %add3A_744, %concatenate3A_748 : vector<1x1024xi32>
    %broadcast_in_dim3A_750 = arith.constant 0 : i32
    %broadcast_in_dim3A_751 = vector.broadcast %broadcast_in_dim3A_750 : i32 to vector<1x32xi32>
    %slice3A_752 = vector.extract_strided_slice %add3A_749 {offsets = [0, 0], sizes = [1, 992], strides = [1, 1]} : vector<1x1024xi32> to vector<1x992xi32>
    %concatenate3A_753 = tpu.concatenate %broadcast_in_dim3A_751, %slice3A_752 in 1 : vector<1x32xi32>, vector<1x992xi32> -> vector<1x1024xi32>
    %add3A_754 = arith.addi %add3A_749, %concatenate3A_753 : vector<1x1024xi32>
    %broadcast_in_dim3A_755 = arith.constant 0 : i32
    %broadcast_in_dim3A_756 = vector.broadcast %broadcast_in_dim3A_755 : i32 to vector<1x64xi32>
    %slice3A_757 = vector.extract_strided_slice %add3A_754 {offsets = [0, 0], sizes = [1, 960], strides = [1, 1]} : vector<1x1024xi32> to vector<1x960xi32>
    %concatenate3A_758 = tpu.concatenate %broadcast_in_dim3A_756, %slice3A_757 in 1 : vector<1x64xi32>, vector<1x960xi32> -> vector<1x1024xi32>
    %add3A_759 = arith.addi %add3A_754, %concatenate3A_758 : vector<1x1024xi32>
    %broadcast_in_dim3A_760 = arith.constant 0 : i32
    %broadcast_in_dim3A_761 = vector.broadcast %broadcast_in_dim3A_760 : i32 to vector<1x128xi32>
    %slice3A_762 = vector.extract_strided_slice %add3A_759 {offsets = [0, 0], sizes = [1, 896], strides = [1, 1]} : vector<1x1024xi32> to vector<1x896xi32>
    %concatenate3A_763 = tpu.concatenate %broadcast_in_dim3A_761, %slice3A_762 in 1 : vector<1x128xi32>, vector<1x896xi32> -> vector<1x1024xi32>
    %add3A_764 = arith.addi %add3A_759, %concatenate3A_763 : vector<1x1024xi32>
    %broadcast_in_dim3A_765 = arith.constant 0 : i32
    %broadcast_in_dim3A_766 = vector.broadcast %broadcast_in_dim3A_765 : i32 to vector<1x256xi32>
    %slice3A_767 = vector.extract_strided_slice %add3A_764 {offsets = [0, 0], sizes = [1, 768], strides = [1, 1]} : vector<1x1024xi32> to vector<1x768xi32>
    %concatenate3A_768 = tpu.concatenate %broadcast_in_dim3A_766, %slice3A_767 in 1 : vector<1x256xi32>, vector<1x768xi32> -> vector<1x1024xi32>
    %add3A_769 = arith.addi %add3A_764, %concatenate3A_768 : vector<1x1024xi32>
    %broadcast_in_dim3A_770 = arith.constant 0 : i32
    %broadcast_in_dim3A_771 = vector.broadcast %broadcast_in_dim3A_770 : i32 to vector<1x512xi32>
    %slice3A_772 = vector.extract_strided_slice %add3A_769 {offsets = [0, 0], sizes = [1, 512], strides = [1, 1]} : vector<1x1024xi32> to vector<1x512xi32>
    %concatenate3A_773 = tpu.concatenate %broadcast_in_dim3A_771, %slice3A_772 in 1 : vector<1x512xi32>, vector<1x512xi32> -> vector<1x1024xi32>
    %add3A_774 = arith.addi %add3A_769, %concatenate3A_773 : vector<1x1024xi32>
    %sub3A_775 = arith.subi %add3A_774, %convert_element_type3A_670 : vector<1x1024xi32>
    %add3A_776 = vector.broadcast %broadcast_in_dim3A_673 : vector<1x1xi32> to vector<1x1024xi32>
    %add3A_777 = arith.addi %add3A_776, %sub3A_775 : vector<1x1024xi32>
    %lt3A_778 = arith.constant 128 : i32
    %lt3A_779 = vector.broadcast %lt3A_778 : i32 to vector<1x1024xi32>
    %lt3A_780 = arith.cmpi slt, %add3A_777, %lt3A_779 : vector<1x1024xi32>
    %convert_element_type3A_781 = arith.extui %lt3A_780 : vector<1x1024xi1> to vector<1x1024xi32>
    %mul3A_782 = arith.muli %convert_element_type3A_670, %convert_element_type3A_781 : vector<1x1024xi32>
    %transpose3A_783 = tpu.transpose %convert_element_type3A_667, [1, 0] : vector<1x1024xi32> -> vector<1024x1xi32>
    %transpose3A_784 = tpu.transpose %sub3A_724, [1, 0] : vector<1x1024xi32> -> vector<1024x1xi32>
    %transpose3A_785 = tpu.transpose %add3A_777, [1, 0] : vector<1x1024xi32> -> vector<1024x1xi32>
    %transpose3A_786 = tpu.transpose %mul3A_782, [1, 0] : vector<1x1024xi32> -> vector<1024x1xi32>
    %broadcast_in_dim3A_787 = vector.shape_cast %transpose3A_784 : vector<1024x1xi32> to vector<1024x1xi32>
    %broadcast_in_dim3A_788 = vector.broadcast %broadcast_in_dim3A_787 : vector<1024x1xi32> to vector<1024x128xi32>
    %eq3A_789 = arith.cmpi eq, %broadcast_in_dim3A_788, %iota3A_80 : vector<1024x128xi32>
    %broadcast_in_dim3A_790 = vector.shape_cast %transpose3A_783 : vector<1024x1xi32> to vector<1024x1xi32>
    %broadcast_in_dim3A_791 = vector.broadcast %broadcast_in_dim3A_790 : vector<1024x1xi32> to vector<1024x128xi32>
    %gt3A_792 = arith.constant 0 : i32
    %gt3A_793 = vector.broadcast %gt3A_792 : i32 to vector<1024x128xi32>
    %gt3A_794 = arith.cmpi sgt, %broadcast_in_dim3A_791, %gt3A_793 : vector<1024x128xi32>
    %and3A_795 = arith.andi %eq3A_789, %gt3A_794 : vector<1024x128xi1>
    %broadcast_in_dim3A_796 = vector.shape_cast %bitcast_convert_type3A_69 : vector<1024x1xi32> to vector<1024x1xi32>
    %broadcast_in_dim3A_797 = vector.broadcast %broadcast_in_dim3A_796 : vector<1024x1xi32> to vector<1024x128xi32>
    %jit3A_798 = arith.constant 0 : i32
    %broadcast_in_dim3A_799 = vector.broadcast %jit3A_798 : i32 to vector<1024x128xi32>
    %select_n3A_800 = arith.select %and3A_795, %broadcast_in_dim3A_797, %broadcast_in_dim3A_799 : vector<1024x128xi1>, vector<1024x128xi32>
    %reduce_sum3A_801 = arith.constant dense<0> : vector<128xi32>
    %reduce_sum3A_802 = vector.multi_reduction <add>, %select_n3A_800, %reduce_sum3A_801 [0] : vector<1024x128xi32> to vector<128xi32>
    %broadcast_in_dim3A_803 = vector.shape_cast %reduce_sum3A_802 : vector<128xi32> to vector<1x128xi32>
    %jit3A_804 = arith.constant 0 : i32
    %broadcast_in_dim3A_805 = vector.broadcast %jit3A_804 : i32 to vector<1024x128xi32>
    %select_n3A_806 = arith.select %and3A_795, %iota3A_81, %broadcast_in_dim3A_805 : vector<1024x128xi1>, vector<1024x128xi32>
    %reduce_sum3A_807 = arith.constant dense<0> : vector<128xi32>
    %reduce_sum3A_808 = vector.multi_reduction <add>, %select_n3A_806, %reduce_sum3A_807 [0] : vector<1024x128xi32> to vector<128xi32>
    %broadcast_in_dim3A_809 = vector.shape_cast %reduce_sum3A_808 : vector<128xi32> to vector<1x128xi32>
    %transpose3A_810 = tpu.transpose %broadcast_in_dim3A_803, [1, 0] : vector<1x128xi32> -> vector<128x1xi32>
    %broadcast_in_dim3A_811 = vector.shape_cast %transpose3A_810 : vector<128x1xi32> to vector<128x1xi32>
    %broadcast_in_dim3A_812 = vector.broadcast %broadcast_in_dim3A_811 : vector<128x1xi32> to vector<128x128xi32>
    %ge3A_813 = arith.cmpi sge, %iota3A_79, %iota3A : vector<128x128xi32>
    %convert_element_type3A_814 = arith.extui %ge3A_813 : vector<128x128xi1> to vector<128x128xi32>
    %add3A_815 = arith.addi %broadcast_in_dim3A_812, %convert_element_type3A_814 : vector<128x128xi32>
    %broadcast_in_dim3A_816 = vector.shape_cast %broadcast_in_dim3A_803 : vector<1x128xi32> to vector<1x128xi32>
    %broadcast_in_dim3A_817 = vector.broadcast %broadcast_in_dim3A_816 : vector<1x128xi32> to vector<128x128xi32>
    %ge3A_818 = arith.cmpi sge, %broadcast_in_dim3A_817, %add3A_815 : vector<128x128xi32>
    %convert_element_type3A_819 = arith.extui %ge3A_818 : vector<128x128xi1> to vector<128x128xi32>
    %reduce_sum3A_820 = arith.constant dense<0> : vector<128xi32>
    %reduce_sum3A_821 = vector.multi_reduction <add>, %convert_element_type3A_819, %reduce_sum3A_820 [1] : vector<128x128xi32> to vector<128xi32>
    %broadcast_in_dim3A_822 = vector.shape_cast %reduce_sum3A_821 : vector<128xi32> to vector<128x1xi32>
    %transpose3A_823 = tpu.transpose %broadcast_in_dim3A_809, [1, 0] : vector<1x128xi32> -> vector<128x1xi32>
    %broadcast_in_dim3A_824 = vector.shape_cast %broadcast_in_dim3A_822 : vector<128x1xi32> to vector<128x1xi32>
    %broadcast_in_dim3A_825 = vector.broadcast %broadcast_in_dim3A_824 : vector<128x1xi32> to vector<128x128xi32>
    %eq3A_826 = arith.cmpi eq, %broadcast_in_dim3A_825, %iota3A_79 : vector<128x128xi32>
    %lt3A_827 = vector.broadcast %broadcast_in_dim3A_673 : vector<1x1xi32> to vector<128x128xi32>
    %lt3A_828 = arith.cmpi slt, %iota3A, %lt3A_827 : vector<128x128xi32>
    %and3A_829 = arith.andi %eq3A_826, %lt3A_828 : vector<128x128xi1>
    %broadcast_in_dim3A_830 = vector.shape_cast %transpose3A_823 : vector<128x1xi32> to vector<128x1xi32>
    %broadcast_in_dim3A_831 = vector.broadcast %broadcast_in_dim3A_830 : vector<128x1xi32> to vector<128x128xi32>
    %jit3A_832 = arith.constant 0 : i32
    %broadcast_in_dim3A_833 = vector.broadcast %jit3A_832 : i32 to vector<128x128xi32>
    %select_n3A_834 = arith.select %and3A_829, %broadcast_in_dim3A_831, %broadcast_in_dim3A_833 : vector<128x128xi1>, vector<128x128xi32>
    %reduce_sum3A_835 = arith.constant dense<0> : vector<128xi32>
    %reduce_sum3A_836 = vector.multi_reduction <add>, %select_n3A_834, %reduce_sum3A_835 [0] : vector<128x128xi32> to vector<128xi32>
    %broadcast_in_dim3A_837 = vector.shape_cast %reduce_sum3A_836 : vector<128xi32> to vector<1x128xi32>
    %broadcast_in_dim3A_838 = vector.shape_cast %transpose3A_785 : vector<1024x1xi32> to vector<1024x1xi32>
    %broadcast_in_dim3A_839 = vector.broadcast %broadcast_in_dim3A_838 : vector<1024x1xi32> to vector<1024x128xi32>
    %eq3A_840 = arith.cmpi eq, %broadcast_in_dim3A_839, %iota3A_80 : vector<1024x128xi32>
    %broadcast_in_dim3A_841 = vector.shape_cast %transpose3A_786 : vector<1024x1xi32> to vector<1024x1xi32>
    %broadcast_in_dim3A_842 = vector.broadcast %broadcast_in_dim3A_841 : vector<1024x1xi32> to vector<1024x128xi32>
    %gt3A_843 = arith.constant 0 : i32
    %gt3A_844 = vector.broadcast %gt3A_843 : i32 to vector<1024x128xi32>
    %gt3A_845 = arith.cmpi sgt, %broadcast_in_dim3A_842, %gt3A_844 : vector<1024x128xi32>
    %and3A_846 = arith.andi %eq3A_840, %gt3A_845 : vector<1024x128xi1>
    %jit3A_847 = arith.constant 0 : i32
    %broadcast_in_dim3A_848 = vector.broadcast %jit3A_847 : i32 to vector<1024x128xi32>
    %select_n3A_849 = arith.select %and3A_846, %iota3A_81, %broadcast_in_dim3A_848 : vector<1024x128xi1>, vector<1024x128xi32>
    %reduce_sum3A_850 = arith.constant dense<0> : vector<128xi32>
    %reduce_sum3A_851 = vector.multi_reduction <add>, %select_n3A_849, %reduce_sum3A_850 [0] : vector<1024x128xi32> to vector<128xi32>
    %broadcast_in_dim3A_852 = vector.shape_cast %reduce_sum3A_851 : vector<128xi32> to vector<1x128xi32>
    %add3A_853 = arith.addi %broadcast_in_dim3A_837, %broadcast_in_dim3A_852 : vector<1x128xi32>
    %broadcast_in_dim3A_854 = vector.shape_cast %add3A_853 : vector<1x128xi32> to vector<1x128xi32>
    %broadcast_in_dim3A_855 = vector.broadcast %broadcast_in_dim3A_854 : vector<1x128xi32> to vector<8x128xi32>
    %swap3A_856 = arith.constant 3 : index
    %swap3A_857 = arith.constant 0 : index
    %swap3A_858 = arith.constant 0 : index
    %swap3A_859 = vector.load %arg2[%swap3A_856, %swap3A_857, %swap3A_858] : memref<4x8x128xi32, #tpu.memory_space<vmem>>, vector<1x8x128xi32>
    %swap3A_860 = vector.shape_cast %swap3A_859 : vector<1x8x128xi32> to vector<8x128xi32>
    %swap3A_861 = vector.shape_cast %broadcast_in_dim3A_855 : vector<8x128xi32> to vector<1x8x128xi32>
    tpu.vector_store %arg2[%swap3A_856, %swap3A_857, %swap3A_858], %swap3A_861 {strides = array<i32>} : memref<4x8x128xi32, #tpu.memory_space<vmem>>, vector<1x8x128xi32>,
    return
  }
  func.func @transform_0(%arg0: i32) -> (i32, i32, i32) {
    %c0_i32 = arith.constant 0 : i32
    %c0_i32_0 = arith.constant 0 : i32
    %c0_i32_1 = arith.constant 0 : i32
    return %arg0, %c0_i32, %c0_i32_0 : i32, i32, i32
  }
  func.func @transform_1(%arg0: i32) -> (i32, i32, i32) {
    %c0_i32 = arith.constant 0 : i32
    %c0_i32_0 = arith.constant 0 : i32
    %c0_i32_1 = arith.constant 0 : i32
    return %arg0, %c0_i32, %c0_i32_0 : i32, i32, i32
  }
}

</mosaic_0001>

<sc_bundles>
// kernel: kernel.4.cloned.1.call-start
scs
__scs_entry_jumppad:
0x0: {  	(pc) =	sbr.rel $0x88, $3  }
0x1: {  	(tag) =	ssettag $0x0;
	lr =	simm.s32 $0x1  }
0x2: {  	[smem:$0x3F9F] =	sst lr;
	_ =	strace $0xD0000000  }
0x3: {  	_ = 	snop  }
0x4: {  	_ = 	snop  }
0x5: {  	_ = 	snop  }
0x6: {  	_ = 	snop  }
0x7: {  	_ = 	snop  }
__scs_overlays_trampoline_lowered:
0x8: {  	[smem:$0x3FAE] =	sst s0  }
0x9: {  	[smem:$0x3FAF] =	sst s1  }
0xa: {  	[smem:$0x3FB0] =	sst s2  }
0xb: {  	[smem:$0x3FB1] =	sst s3  }
0xc: {  	[smem:$0x3FB2] =	sst s4  }
0xd: {  	[smem:$0x3FB3] =	sst s5  }
0xe: {  	[smem:$0x3FB4] =	sst s6  }
0xf: {  	[smem:$0x3FB5] =	sst s7  }
0x10: {  	[smem:$0x3FB6] =	sst s8  }
0x11: {  	[smem:$0x3FB7] =	sst s9;
	s0 =	simm.s32 @!p0 $0x0  }
0x12: {  	s1 =	sld [smem:$0x3F9D];
	s0 =	simm.s32 @p0 $0x1  }
0x13: {  	[smem:$0x3FB8] =	sst s0;
	s0 =	simm.s32 @!p1 $0x0  }
0x14: {  	s2 =	sld [smem:$0x3F9C];
	s0 =	simm.s32 @p1 $0x1  }
0x15: {  	[smem:$0x3FB9] =	sst s0;
	s0 =	simm.s32 @!p2 $0x0  }
0x16: {  	s3 =	sld [smem:$0x3FDB];
	s0 =	simm.s32 @p2 $0x1  }
0x17: {  	s4 =	simm.s32 $0x1BF5;
	[smem:$0x3FBB] =	sst s0  }
0x18: {  	s0 =	sld [smem:$0x3F9E];
	_ =	swait.ge [sflag:s4], $0x0  }
0x19: {  	s7 =	sld [smem:$0x3F9F]  }
0x1a: {  	s8 =	sadd.s32 $0xFFFFE003, lr  }
0x1b: {  	s9 =	sadd.s32 $0xFFFFFEF7, lr;
	s5 =	simm.s32 $0xFFFFFFFF;
	p2 =	slt.u32 s8, $0xFFFFF086  }
0x1c: {  	p1 =	slt.u32 s9, $0xF7A;
	s5 =	simm.s32 @!p2 $0x0  }
0x1d: {  	s5 =	simm.s32 @p1 $0x1;
	p0 =	seq.s32 s7, s2  }
0x1e: {  	s7 =	smul.u32 @!p0 $0xF7A, s2;
	p2 =	seq.s32 @!p0 s5, $0x0  }
0x1f: {  	s9 =	smul.u32 $0xF7A, s1;
	s8 =	simm.s32 @!p0 $0x1BF5;
	p2 =	por !p2, p0  }
0x20: {  	[sflag:s8] =	ssyncset.s32 @!p0 $0xFFFFF086;
	s6 =	sadd.s32 @!p0 s3, s7;
	s7 =	simm.s32 @!p0 $0x108  }
0x21: {  	s3 =	sadd.s32 s3, s9;
	s6 =	sadd.s32 @!p0 $0x88, s6;
	s7 =	simm.s32 @p2 $0x1082  }
0x22: {  	[simem:s7], [sflag:s8] =	dma.local @!p0 [hbm:s6], $0xF7A  }
0x23: {  	s9 =	sor.u32 $0xD0000000, s2;
	s6 =	simm.s32 $0x108;
	_ =	swait.ge @!p0 [sflag:s8], $0x0  }
0x24: {  	s3 =	sadd.s32 $0x88, s3;
	s6 =	simm.s32 @!p1 $0x1082;
	[sflag:s4] =	ssyncset.s32 $0xFFFFF086  }
0x25: {  	[simem:s6], [sflag:s4] =	dma.local [hbm:s3], $0xF7A  }
0x26: {  	[smem:$0x3F9F] =	sst s1;
	(tag) =	ssettag s2;
	_ =	strace s9  }
0x27: {  	s1 =	sld [smem:$0x3FAF]  }
0x28: {  	s2 =	sld [smem:$0x3FB0]  }
0x29: {  	s4 =	sld [smem:$0x3FB2]  }
0x2a: {  	p0 =	seq.s32 s5, $0x0;
	s5 =	sld [smem:$0x3FB3]  }
0x2b: {  	s6 =	sld [smem:$0x3FB4]  }
0x2c: {  	s7 =	sld [smem:$0x3FB5]  }
0x2d: {  	s3 =	simm.s32 $0x108;
	s8 =	sld [smem:$0x3FB6]  }
0x2e: {  	s3 =	simm.s32 @!p0 $0x1082;
	s9 =	sld [smem:$0x3FB7]  }
0x2f: {  	lr =	sadd.s32 s0, s3;
	s0 =	sld [smem:$0x3FAE]  }
0x30: {  	s3 =	sld [smem:$0x3FB1]  }
0x31: {  	[smem:$0x3FBA] =	sst s10  }
0x32: {  	s10 =	sld [smem:$0x3FB8];
	_ =	sdelay $0x3  }
0x33: {  	p0 =	seq.s32 s10, $0x1;
	s10 =	sld [smem:$0x3FBA];
	_ =	sdelay $0x3  }
0x34: {  	[smem:$0x3FBA] =	sst s10  }
0x35: {  	s10 =	sld [smem:$0x3FB9];
	_ =	sdelay $0x3  }
0x36: {  	p1 =	seq.s32 s10, $0x1;
	s10 =	sld [smem:$0x3FBA];
	_ =	sdelay $0x3  }
0x37: {  	[smem:$0x3FBA] =	sst s10  }
0x38: {  	s10 =	sld [smem:$0x3FBB]  }
0x39: {  	_ = 	snop;
	(pc) =	sbr.ind lr, $3  }
0x3a: {  	_ = 	snop  }
0x3b: {  	_ = 	snop  }
0x3c: {  	p2 =	seq.s32 s10, $0x1;
	s10 =	sld [smem:$0x3FBA]  }
0x3d: {  	_ =	shalt  }
0x3e: {  	_ =	shalt  }
0x3f: {  	_ =	shalt  }
0x40: {  	_ =	shalt  }
0x41: {  	_ =	shalt  }
0x42: {  	_ =	shalt  }
0x43: {  	_ =	shalt  }
0x44: {  	_ =	shalt  }
0x45: {  	_ =	shalt  }
0x46: {  	_ =	shalt  }
0x47: {  	_ =	shalt  }
0x48: {  	_ =	shalt  }
0x49: {  	_ =	shalt  }
0x4a: {  	_ =	shalt  }
0x4b: {  	_ =	shalt  }
0x4c: {  	_ =	shalt  }
0x4d: {  	_ =	shalt  }
0x4e: {  	_ =	shalt  }
0x4f: {  	_ =	shalt  }
0x50: {  	_ =	shalt  }
0x51: {  	_ =	shalt  }
0x52: {  	_ =	shalt  }
0x53: {  	_ =	shalt  }
0x54: {  	_ =	shalt  }
0x55: {  	_ =	shalt  }
0x56: {  	_ =	shalt  }
0x57: {  	_ =	shalt  }
0x58: {  	_ =	shalt  }
0x59: {  	_ =	shalt  }
0x5a: {  	_ =	shalt  }
0x5b: {  	_ =	shalt  }
0x5c: {  	_ =	shalt  }
0x5d: {  	_ =	shalt  }
0x5e: {  	_ =	shalt  }
0x5f: {  	_ =	shalt  }
0x60: {  	_ =	shalt  }
0x61: {  	_ =	shalt  }
0x62: {  	_ =	shalt  }
0x63: {  	_ =	shalt  }
0x64: {  	_ =	shalt  }
0x65: {  	_ =	shalt  }
0x66: {  	_ =	shalt  }
0x67: {  	_ =	shalt  }
0x68: {  	_ =	shalt  }
0x69: {  	_ =	shalt  }
0x6a: {  	_ =	shalt  }
0x6b: {  	_ =	shalt  }
0x6c: {  	_ =	shalt  }
0x6d: {  	_ =	shalt  }
0x6e: {  	_ =	shalt  }
0x6f: {  	_ =	shalt  }
0x70: {  	_ =	shalt  }
0x71: {  	_ =	shalt  }
0x72: {  	_ =	shalt  }
0x73: {  	_ =	shalt  }
0x74: {  	_ =	shalt  }
0x75: {  	_ =	shalt  }
0x76: {  	_ =	shalt  }
0x77: {  	_ =	shalt  }
0x78: {  	_ =	shalt  }
0x79: {  	_ =	shalt  }
0x7a: {  	_ =	shalt  }
0x7b: {  	_ =	shalt  }
0x7c: {  	_ =	shalt  }
0x7d: {  	_ =	shalt  }
0x7e: {  	_ =	shalt  }
0x7f: {  	_ =	shalt  }
0x80: {  	_ =	shalt  }
0x81: {  	_ =	shalt  }
0x82: {  	_ =	shalt  }
0x83: {  	_ =	shalt  }
0x84: {  	_ =	shalt  }
0x85: {  	_ =	shalt  }
0x86: {  	_ =	shalt  }
0x87: {  	_ =	shalt  }
.Lfunc_end0:
.L_simem_size_0:
called_computation_lowered:
.L_overlay_start_0:
0x88: {  	s2 =	sld [smem:$0x3FD9]  }
0x89: {  	s3 =	sld [smem:$0x3FFE];
	_ =	sdelay $0x1  }
0x8a: {  	s1 =	srdreg.scid  }
0x8b: {  	s0 =	sand.u32 $0x1, s1  }
0x8c: {  	s17 =	sshll.u32 s0, $0xA;
	s2 =	sadd.s32 s3, s2  }
0x8d: {  	s2 =	sadd.s32 s2, s17  }
0x8e: {  	[smem:$0x3FC6] =	sst s2  }
0x8f: {  	_ = 	snop  }
0x90: {  	s2 =	sld [smem:$0x3FC9]  }
0x91: {  	s18 =	sld [smem:$0x3FD0];
	(tm) =	ssettm $0x1  }
0x92: {  	s4 =	sld [smem:$0x3FFB];
	_ =	sdelay $0x3  }
0x93: {  	_ =	strace s4  }
0x94: {  	s4 =	sld [smem:$0x3FFC];
	_ =	sdelay $0x3  }
0x95: {  	_ =	strace s4  }
0x96: {  	s4 =	sld [smem:$0x3FFD];
	_ =	sdelay $0x3  }
0x97: {  	_ =	strace s4  }
0x98: {  	_ =	strace $0x8FFFFFFF  }
0x99: {  	s19 =	sld [smem:$0x3FDB];
	_ =	sdelay $0x1  }
0x9a: {  	s5 =	simm.s32 $_scs_section_size  }
0x9b: {  	s6 =	simm.s32 $_size__tile_overlayer_lowered;
	s7 =	simm.s32 $_tile_overlayer_lowered  }
0x9c: {  	s22 =	simm.s32 $0x1BFF;
	s21 =	sshll.u32 s7, $0x1;
	s4 =	sadd.s32 s5, s19  }
0x9d: {  	s8 =	simm.s32 $0x0;
	s20 =	sshll.u32 s6, $0x1;
	s6 =	sadd.s32 s21, s4  }
0x9e: {  	[timem:s8], [sflag:s22] =	dma.local [hbm:s6], s20  }
0x9f: {  	_ =	swait.ge [sflag:s22], s20  }
0xa0: {  	s5 =	ssub.s32 $0x0, s20;
	[sflag:s22] =	ssyncset.done $0x0  }
0xa1: {  	[sflag:s22] =	ssyncadd.s32 s5;
	_ =	sdelay $0x1  }
0xa2: {  	s23 =	simm.s32 $0x1B8B  }
0xa3: {  	_ =	swait.ge [sflag:s23], $0x1  }
0xa4: {  	[sflag:s23] =	ssyncset.done $0x0  }
0xa5: {  	s25 =	simm.s32 $0x1B8E;
	s24 =	sld [smem:$0x3FFE];
	[sflag:s23] =	ssyncadd.s32 $0xFFFFFFFF  }
0xa6: {  	s26 =	simm.s32 $execute0_lowered;
	[smem:$0x3FD2] =	sst s25  }
0xa7: {  	s6 =	sshll.u32 s26, $0x1;
	_ =	strace $0x80000046;
	[dreg:$0x1] =	wrdreg $0xFFFFFFFF  }
0xa8: {  	s28 =	simm.s32 $_size_execute0_lowered;
	s4 =	sadd.s32 s4, s6;
	[dreg:$0x0] =	wrdreg $0x0  }
0xa9: {  	s6 =	sshll.u32 s28, $0x1;
	[dreg:$0x2] =	wrdreg s4  }
0xaa: {  	[dreg:$0x3] =	wrdreg s6  }
0xab: {  	[dreg:$0x4] =	wrdreg $0xC0  }
0xac: {  	_ =	task [dreg:s8], $0x5FFFF  }
0xad: {  	[dreg:$0x1] =	wrdreg $0xFFFFFFFF  }
0xae: {  	[dreg:$0x0] =	wrdreg $0x60  }
0xaf: {  	[dreg:$0x2] =	wrdreg s2  }
0xb0: {  	[dreg:$0x3] =	wrdreg s24  }
0xb1: {  	[dreg:$0x4] =	wrdreg s18  }
0xb2: {  	[dreg:$0x5] =	wrdreg $0x9  }
0xb3: {  	_ =	task.clear_ibuf [dreg:s8], $0x6FFFF;
	_ =	strace $0x90000046  }
0xb4: {  	s29 =	simm.s32 $0x9;
	_ =	strace $0x80000048  }
0xb5: {  	_ =	swait.ge [sflag:s29], $0x1  }
0xb6: {  	[sflag:s29] =	ssyncadd.s32 $0xFFFFFFFF  }
0xb7: {  	_ =	strace $0x90000048  }
0xb8: {  	_ =	sfence  }
0xb9: {  	s30 =	sld [smem:$0x0];
	_ =	sdelay $0x2  }
0xba: {  	s31 =	sshll.u32 s1, $0xD;
	s1 =	sshrl.u32 s1, $0x2  }
0xbb: {  	s3 =	sand.u32 $0x4000, s31;
	s1 =	sadd.s32 s1, s30  }
0xbc: {  	s0 =	sor.u32 s3, s0;
	s1 =	sshll.u32 s1, $0x11  }
0xbd: {  	s0 =	sor.u32 s1, s0  }
0xbe: {  	s0 =	sadd.s32 $0x8F2B, s0  }
0xbf: {  	[sflag:s0] =	ssyncadd.remote.s32 $0x1  }
0xc0: {  	_ =	sfence.sel $0xFFFF  }
0xc1: {  	[dreg:$0x0] =	wrdreg $0xFFFFFFFF;
	(pc) =	sbr.abs _section_cstart, $3  }
0xc2: {  	[dreg:$0x1] =	wrdreg $0xFFFFFFFF  }
0xc3: {  	_ =	task.clear_ibuf [dreg:s8], $0x2FFFF;
	_ =	strace $0x9FFFFFFF  }
0xc4: {  	(tm) =	ssettm $0x7FFFFFFF  }
0xc5: {  	_ =	shalt  }
tec
execute0_lowered:
.L_overlay_start_1:
0x0: {  	(tag) =	ssettag $0x1  }
0x1: {  	s4 =	rddreg [dreg:$0x0]  }
0x2: {  	s1 =	srdreg.scid;
	s5 =	rddreg [dreg:$0x1]  }
0x3: {  	s0 =	stileid.u32;
	s6 =	rddreg [dreg:$0x2];
	s7 =	simm.s32 $0x1  }
0x4: {  	s3 =	simm.s32 $0x1;
	s26 =	simm.s32 $0x880;
	s12 =	simm.s32 $0x2080  }
0x5: {  	s13 =	simm.s32 $0x2880;
	s14 =	simm.s32 $0x3080;
	s15 =	simm.s32 $0x3880  }
0x6: {  	s16 =	simm.s32 $0x4080;
	s17 =	simm.s32 $0x4880;
	s18 =	simm.s32 $0x5080  }
0x7: {  	s19 =	simm.s32 $0x5880;
	s20 =	simm.s32 $0x6080;
	s21 =	simm.s32 $0x6880  }
0x8: {  	s22 =	simm.s32 $0x7080;
	s23 =	simm.s32 $0x7880;
	s1 =	sand.u32 $0x1, s1  }
0x9: {  	s28 =	simm.s32 $0x9880;
	s29 =	simm.s32 $0xA080;
	s2 =	sor.u32 s1, s0  }
0xa: {  	s30 =	simm.s32 $0xA880;
	p1 =	seq.s32 s1, $0x1;
	p0 =	seq.s32 s2, $0x0  }
0xb: {  	s31 =	simm.s32 $0xB080;
	s8 =	sshll.u32 s1, $0x6;
	p0 =	por !p0, !p1  }
0xc: {  	s24 =	ssub.s32 $0x2, s1;
	s1 =	smul.u32 $0xC000, s1;
	p0 =	por !p0, !p0  }
0xd: {  	s2 =	simm.s32 $0x0;
	s11 =	sshrl.u32 s24, $0x1;
	s7 =	simm.s32 @!p0 $0x0  }
0xe: {  	[smem:$0x7FF] =	sst s2;
	s25 =	ssub.s32 s24, s11;
	s7 =	ssub.s32 s0, s7  }
0xf: {  	s11 =	simm.s32 $0x1880;
	s24 =	simm.s32 $0x8080;
	s10 =	smul.u32 $0x18000, s7  }
0x10: {  	_ =	strace $0x80000047;
	s9 =	sshll.u32 s7, $0xA;
	s7 =	smul.u32 $0xC0000, s7  }
0x11: {  	[dreg:$0x6] =	wrdreg s26;
	s26 =	simm.s32 $0x9080;
	s8 =	sor.u32 s8, s9  }
0x12: {  	s8 =	sshrl.u32 s8, $0x3;
	s1 =	sadd.s32 s1, s10;
	s7 =	sshrl.u32 s7, $0x3  }
0x13: {  	s10 =	simm.s32 $0x1080;
	s5 =	sadd.s32 s8, s5;
	s1 =	sshrl.u32 s1, $0x3  }
0x14: {  	s4 =	sadd.s32 s4, s7;
	s7 =	simm.s32 $0x80;
	s5 =	sadd.s32 $0x800, s5  }
0x15: {  	v2 =	vlaneseq.u32;
	s1 =	sadd.s32 s6, s1;
	s6 =	simm.s32 $0x2;
	[dreg:$0x4] =	wrdreg s5  }
0x16: {  	vm0 =	vmmov $0xffff;
	v1 =	vshrl.u32 v2, $0x3;
	s8 =	sadd.s32 $0x100, s4;
	s9 =	sadd.s32 $0x200, s4;
	[dreg:$0x5] =	wrdreg s1  }
0x17: {  	v0 =	vand.u32 $0x7, v2;
	v2 =	vor.u32 $0x8, v2;
	v1 =	vmul.u32 $0x8, v1;
	s5 =	smax.u32 s25, $0x1;
	s25 =	simm.s32 $0x8880;
	s1 =	simm.s32 $0xB880  }
.LBB2_1:
0x18: {  	s0 =	rddreg [dreg:$0x4]  }
0x19: {  	[tilespmem:s2], [sflag:$0x2] =	stream.linear.gather [hbm4b:s0+s2], $0x40, $0x38;
	[tilespmem:$0xC080] =	vst v63  }
0x1a: {  	_ =	swait.ge [sflag:s6], $0x40  }
0x1b: {  	[sflag:s6] =	ssyncset.done $0x0  }
0x1c: {  	[sflag:s6] =	ssyncadd.s32 $0xFFFFFFC0  }
0x1d: {  	v3 =	vld [tilespmem:$0x0];
	_ =	sdelay $0x4  }
0x1e: {  	v4 =	vshrl.u32 v3, $0x3  }
0x1f: {  	v4 =	vmul.u32 $0x30, v4  }
0x20: {  	v3 =	vand.u32 $0x7, v3  }
0x21: {  	v3 =	vor.u32 v3, v4  }
0x22: {  	v4 =	vperm.xlane v3, v0;
	_ =	sdelay $0x1  }
0x23: {  	v4 =	vadd.s32 v1, v4;
	_ =	sdelay $0x3  }
0x24: {  	v3 =	vperm.xlane v3, v2  }
0x25: {  	[tilespmem:s7], [sflag:$0x1] =	stream.indirect_vreg.gather [hbm4b:s4+s2], $0x80, v4, vm0, $0xb8;
	[tilespmem:$0xC080] =	vst v63  }
0x26: {  	s0 =	rddreg [dreg:$0x6];
	v3 =	vadd.s32 v1, v3  }
0x27: {  	[tilespmem:s0], [sflag:$0x1] =	stream.indirect_vreg.gather [hbm4b:s8+s2], $0x80, v4, vm0, $0xb8;
	[tilespmem:$0xC080] =	vst v63  }
0x28: {  	_ = 	snop  }
0x29: {  	[tilespmem:s10], [sflag:$0x1] =	stream.indirect_vreg.gather [hbm4b:s9+s2], $0x80, v4, vm0, $0xb8;
	[tilespmem:$0xC080] =	vst v63  }
0x2a: {  	_ = 	snop  }
0x2b: {  	[tilespmem:s11], [sflag:$0x1] =	stream.indirect_vreg.gather [hbm4b:s4+s2], $0x80, v3, vm0, $0xb8;
	[tilespmem:$0xC080] =	vst v63  }
0x2c: {  	_ = 	snop  }
0x2d: {  	[tilespmem:s12], [sflag:$0x1] =	stream.indirect_vreg.gather [hbm4b:s8+s2], $0x80, v3, vm0, $0xb8;
	[tilespmem:$0xC080] =	vst v63  }
0x2e: {  	_ = 	snop  }
0x2f: {  	[tilespmem:s13], [sflag:$0x1] =	stream.indirect_vreg.gather [hbm4b:s9+s2], $0x80, v3, vm0, $0xb8;
	[tilespmem:$0xC080] =	vst v63  }
0x30: {  	v3 =	vld [tilespmem:$0x10];
	_ =	sdelay $0x4  }
0x31: {  	v61 =	vshrl.u32 v3, $0x3  }
0x32: {  	v4 =	vmul.u32 $0x30, v61  }
0x33: {  	v3 =	vand.u32 $0x7, v3  }
0x34: {  	v3 =	vor.u32 v3, v4  }
0x35: {  	v4 =	vperm.xlane v3, v0;
	_ =	sdelay $0x1  }
0x36: {  	v4 =	vadd.s32 v1, v4;
	_ =	sdelay $0x3  }
0x37: {  	v3 =	vperm.xlane v3, v2  }
0x38: {  	[tilespmem:s14], [sflag:$0x1] =	stream.indirect_vreg.gather [hbm4b:s4+s2], $0x80, v4, vm0, $0xb8;
	[tilespmem:$0xC080] =	vst v63  }
0x39: {  	v3 =	vadd.s32 v1, v3  }
0x3a: {  	[tilespmem:s15], [sflag:$0x1] =	stream.indirect_vreg.gather [hbm4b:s8+s2], $0x80, v4, vm0, $0xb8;
	[tilespmem:$0xC080] =	vst v63  }
0x3b: {  	_ = 	snop  }
0x3c: {  	[tilespmem:s16], [sflag:$0x1] =	stream.indirect_vreg.gather [hbm4b:s9+s2], $0x80, v4, vm0, $0xb8;
	[tilespmem:$0xC080] =	vst v63  }
0x3d: {  	_ = 	snop  }
0x3e: {  	[tilespmem:s17], [sflag:$0x1] =	stream.indirect_vreg.gather [hbm4b:s4+s2], $0x80, v3, vm0, $0xb8;
	[tilespmem:$0xC080] =	vst v63  }
0x3f: {  	_ = 	snop  }
0x40: {  	[tilespmem:s18], [sflag:$0x1] =	stream.indirect_vreg.gather [hbm4b:s8+s2], $0x80, v3, vm0, $0xb8;
	[tilespmem:$0xC080] =	vst v63  }
0x41: {  	_ = 	snop  }
0x42: {  	[tilespmem:s19], [sflag:$0x1] =	stream.indirect_vreg.gather [hbm4b:s9+s2], $0x80, v3, vm0, $0xb8;
	[tilespmem:$0xC080] =	vst v63  }
0x43: {  	v3 =	vld [tilespmem:$0x20];
	_ =	sdelay $0x4  }
0x44: {  	v62 =	vshrl.u32 v3, $0x3  }
0x45: {  	v4 =	vmul.u32 $0x30, v62  }
0x46: {  	v3 =	vand.u32 $0x7, v3  }
0x47: {  	v3 =	vor.u32 v3, v4  }
0x48: {  	v4 =	vperm.xlane v3, v0;
	_ =	sdelay $0x1  }
0x49: {  	v4 =	vadd.s32 v1, v4;
	_ =	sdelay $0x3  }
0x4a: {  	v3 =	vperm.xlane v3, v2  }
0x4b: {  	[tilespmem:s20], [sflag:$0x1] =	stream.indirect_vreg.gather [hbm4b:s4+s2], $0x80, v4, vm0, $0xb8;
	[tilespmem:$0xC080] =	vst v63  }
0x4c: {  	v3 =	vadd.s32 v1, v3  }
0x4d: {  	[tilespmem:s21], [sflag:$0x1] =	stream.indirect_vreg.gather [hbm4b:s8+s2], $0x80, v4, vm0, $0xb8;
	[tilespmem:$0xC080] =	vst v63  }
0x4e: {  	_ = 	snop  }
0x4f: {  	[tilespmem:s22], [sflag:$0x1] =	stream.indirect_vreg.gather [hbm4b:s9+s2], $0x80, v4, vm0, $0xb8;
	[tilespmem:$0xC080] =	vst v63  }
0x50: {  	_ = 	snop  }
0x51: {  	[tilespmem:s23], [sflag:$0x1] =	stream.indirect_vreg.gather [hbm4b:s4+s2], $0x80, v3, vm0, $0xb8;
	[tilespmem:$0xC080] =	vst v63  }
0x52: {  	_ = 	snop  }
0x53: {  	[tilespmem:s24], [sflag:$0x1] =	stream.indirect_vreg.gather [hbm4b:s8+s2], $0x80, v3, vm0, $0xb8;
	[tilespmem:$0xC080] =	vst v63  }
0x54: {  	_ = 	snop  }
0x55: {  	[tilespmem:s25], [sflag:$0x1] =	stream.indirect_vreg.gather [hbm4b:s9+s2], $0x80, v3, vm0, $0xb8;
	[tilespmem:$0xC080] =	vst v63  }
0x56: {  	v3 =	vld [tilespmem:$0x30];
	_ =	sdelay $0x4  }
0x57: {  	v63 =	vshrl.u32 v3, $0x3  }
0x58: {  	v4 =	vmul.u32 $0x30, v63  }
0x59: {  	v3 =	vand.u32 $0x7, v3  }
0x5a: {  	v3 =	vor.u32 v3, v4  }
0x5b: {  	v4 =	vperm.xlane v3, v0;
	_ =	sdelay $0x1  }
0x5c: {  	v4 =	vadd.s32 v1, v4;
	_ =	sdelay $0x3  }
0x5d: {  	v3 =	vperm.xlane v3, v2  }
0x5e: {  	[tilespmem:s26], [sflag:$0x1] =	stream.indirect_vreg.gather [hbm4b:s4+s2], $0x80, v4, vm0, $0xb8;
	[tilespmem:$0xC080] =	vst v63  }
0x5f: {  	v3 =	vadd.s32 v1, v3  }
0x60: {  	[tilespmem:s28], [sflag:$0x1] =	stream.indirect_vreg.gather [hbm4b:s8+s2], $0x80, v4, vm0, $0xb8;
	[tilespmem:$0xC080] =	vst v63  }
0x61: {  	_ = 	snop  }
0x62: {  	[tilespmem:s29], [sflag:$0x1] =	stream.indirect_vreg.gather [hbm4b:s9+s2], $0x80, v4, vm0, $0xb8;
	[tilespmem:$0xC080] =	vst v63  }
0x63: {  	_ = 	snop  }
0x64: {  	[tilespmem:s30], [sflag:$0x1] =	stream.indirect_vreg.gather [hbm4b:s4+s2], $0x80, v3, vm0, $0xb8;
	[tilespmem:$0xC080] =	vst v63  }
0x65: {  	_ = 	snop  }
0x66: {  	[tilespmem:s31], [sflag:$0x1] =	stream.indirect_vreg.gather [hbm4b:s8+s2], $0x80, v3, vm0, $0xb8;
	[tilespmem:$0xC080] =	vst v63  }
0x67: {  	_ = 	snop  }
0x68: {  	[tilespmem:s1], [sflag:$0x1] =	stream.indirect_vreg.gather [hbm4b:s9+s2], $0x80, v3, vm0, $0xb8;
	[tilespmem:$0xC080] =	vst v63  }
0x69: {  	_ =	swait.ge [sflag:s3], $0xC000  }
0x6a: {  	p0 =	sne.s32 s5, $0x1;
	[sflag:s3] =	ssyncset.done $0x0  }
.Ltmp0:
0x6b: {  	s0 =	rddreg [dreg:$0x5];
	[sflag:s3] =	ssyncadd.s32 $0xFFFF4000;
	(pc) =	sbr.rel @p0 .LBB2_1-.Ltmp0, $4  }
0x6c: {  	[hbm4b:s0+s2] =	stream.linear.scatter [tilespmem:s7], [sflag:$0x2], $0xC000, $0x38;
	[tilespmem:$0xC080] =	vst v63  }
0x6d: {  	_ =	swait.ge [sflag:s6], $0xC000  }
0x6e: {  	[sflag:s6] =	ssyncset.done $0x0  }
0x6f: {  	s5 =	sadd.s32 $0xFFFFFFFF, s5;
	[sflag:s6] =	ssyncadd.s32 $0xFFFF4000  }
0x70: {  	_ =	sfence.sel $0x180000  }
0x71: {  	[bflag:$0x0] =	sbarrier.arrive $0xFFFF  }
0x72: {  	_ =	strace $0x90000047  }
0x73: {  	s0 =	stileid.u32;
	[bflag:$0x2] =	sbarrier.arrive $0xFFFF  }
0x74: {  	p0 =	sne.s32 s0, $0x0;
	s0 =	rddreg [dreg:$0x3]  }
0x75: {  	s0 =	sadd.s32 @!p0 $0x100000, s0  }
0x76: {  	[sflag:s0] =	ssyncadd.tile.s32 @!p0 $0x1;
	_ =	shalt  }
.Lfunc_end2:
_tile_overlayer_lowered:
.L_overlay_start_2:
0x77: {  	(tag) =	ssettag $0x2  }
0x78: {  	s0 =	rddreg [dreg:$0x0];
	s2 =	stileid.u32  }
0x79: {  	s1 =	rddreg [dreg:$0x1];
	p0 =	sne.s32 s2, $0x0  }
0x7a: {  	s3 =	rddreg [dreg:$0x2];
	[bflag:$0x3] =	sbarrier.arrive $0xFFFF;
	s2 =	simm.s32 @!p0 $0x1C02  }
0x7b: {  	[timem:s3], [sflag:s2] =	dma.local @!p0 [hbm:s0], s1  }
0x7c: {  	s0 =	simm.s32 @!p0 $0x2  }
0x7d: {  	_ =	swait.ge @!p0 [sflag:s0], s1  }
0x7e: {  	s1 =	ssub.s32 @!p0 $0x0, s1;
	[sflag:s0] =	ssyncset.done @!p0 $0x0  }
0x7f: {  	[sflag:s0] =	ssyncadd.s32 @!p0 s1  }
0x80: {  	[bflag:$0x3] =	sbarrier.arrive $0xFFFF  }
0x81: {  	_ =	shalt  }

</sc_bundles>
